<compile_context>
chip_gen: v7x
topology: tpu7x:2x2x1
jax: 0.10.2.dev20260603
libtpu: 0.0.44.dev20260713+nightly
codegen_flags: <defaults>
</compile_context>

<pallas_src>
import functools

import jax
import jax.numpy as jnp
from jax import lax
from jax.experimental import pallas as pl
from jax.experimental.pallas import tpu as pltpu
from jax.experimental.pallas import tpu_sc as plsc

N = 10000
E = 320000
D = 128
DE = 16
DS = 16
NC = 2
NS = 16
NW = NC * NS
EPW = E // NW
BLK = 80
NBLK = EPW // BLK
RCHUNK = 80
NRCHUNK = N // RCHUNK

_sc_mesh = plsc.VectorSubcoreMesh(core_axis_name="c", subcore_axis_name="s")


def _proj_body(qb, kb, vb, wqt, bq, wkt, bk, wvt, bv, oq, ok, ov):
    oq[...] = jnp.dot(qb[...], wqt[...], preferred_element_type=jnp.float32) + bq[...]
    ok[...] = jnp.dot(kb[...], wkt[...], preferred_element_type=jnp.float32) + bk[...]
    ov[...] = jnp.dot(vb[...], wvt[...], preferred_element_type=jnp.float32) + bv[...]


def _project(q, k, v, WqT, bq, WkT, bk, WvT, bv):
    BN = 1000
    grid = (N // BN,)
    row = lambda i: (i, 0)
    fixed = lambda i: (0, 0)
    return pl.pallas_call(
        _proj_body,
        grid=grid,
        in_specs=[
            pl.BlockSpec((BN, D), row),
            pl.BlockSpec((BN, D), row),
            pl.BlockSpec((BN, D), row),
            pl.BlockSpec((D, D), fixed),
            pl.BlockSpec((1, D), fixed),
            pl.BlockSpec((D, D), fixed),
            pl.BlockSpec((1, D), fixed),
            pl.BlockSpec((D, D), fixed),
            pl.BlockSpec((1, D), fixed),
        ],
        out_specs=[
            pl.BlockSpec((BN, D), row),
            pl.BlockSpec((BN, D), row),
            pl.BlockSpec((BN, D), row),
        ],
        out_shape=[jax.ShapeDtypeStruct((N, D), jnp.float32)] * 3,
    )(q, k, v, WqT, bq, WkT, bk, WvT, bv)


def _gather_sub_body(xk_hbm, xq_hbm, src_hbm, dst_hbm, dd_hbm,
                     idx_s, idx_d, rows_k, rows_q, dd_v, sem1, sem2, sem3):
    wid = lax.axis_index("s") * NC + lax.axis_index("c")
    base = wid * EPW

    def block(b, carry):
        off = base + b * BLK
        pltpu.sync_copy(src_hbm.at[pl.ds(off, BLK)], idx_s)
        pltpu.sync_copy(dst_hbm.at[pl.ds(off, BLK)], idx_d)
        cp1 = pltpu.async_copy(xk_hbm.at[idx_s], rows_k, sem1)
        cp2 = pltpu.async_copy(xq_hbm.at[idx_d], rows_q, sem2)
        cp1.wait()
        cp2.wait()

        def edge(e, c2):
            for c in range(D // 16):
                sl = pl.ds(c * 16, 16)
                dd_v[e, sl] = rows_k[e, sl] - rows_q[e, sl]
            return c2

        lax.fori_loop(0, BLK, edge, 0)
        cp3 = pltpu.async_copy(dd_v, dd_hbm.at[pl.ds(off, BLK)], sem3)
        cp3.wait()
        return carry

    lax.fori_loop(0, NBLK, block, 0)


def _gather_sub(xk, xq, src, dst):
    f = pl.kernel(
        _gather_sub_body,
        out_type=jax.ShapeDtypeStruct((E, D), jnp.float32),
        mesh=_sc_mesh,
        scratch_types=[
            pltpu.VMEM((BLK,), jnp.int32),
            pltpu.VMEM((BLK,), jnp.int32),
            pltpu.VMEM((BLK, D), jnp.float32),
            pltpu.VMEM((BLK, D), jnp.float32),
            pltpu.VMEM((BLK, D), jnp.float32),
            pltpu.SemaphoreType.DMA,
            pltpu.SemaphoreType.DMA,
            pltpu.SemaphoreType.DMA,
        ],
    )
    return f(xk, xq, src, dst)


def _mlp_body(dd, eb, w1t, bw1, w2t, bw2, wpr, bp, w_out, wp_out):
    p_r = jnp.sum(eb[...] * wpr[...], axis=1, keepdims=True) + bp[...]
    a = jnp.maximum(dd[...] + p_r, 0.0)
    h = jnp.dot(a, w1t[...], preferred_element_type=jnp.float32) + bw1[...]
    h = jnp.maximum(h, 0.0)
    g = jnp.dot(h, w2t[...], preferred_element_type=jnp.float32) + bw2[...]
    m = jnp.max(g, axis=1, keepdims=True)
    ex = jnp.exp(g - m)
    wgt = ex / jnp.sum(ex, axis=1, keepdims=True)
    w_out[...] = wgt
    wp_out[...] = wgt * p_r


def _mlp(dd, edges, W1T, bw1, W2T, bw2, WpRow, bp):
    BE = 2000
    grid = (E // BE,)
    row = lambda i: (i, 0)
    fixed = lambda i: (0, 0)
    return pl.pallas_call(
        _mlp_body,
        grid=grid,
        in_specs=[
            pl.BlockSpec((BE, D), row),
            pl.BlockSpec((BE, DE), row),
            pl.BlockSpec((D, DS), fixed),
            pl.BlockSpec((1, DS), fixed),
            pl.BlockSpec((DS, DS), fixed),
            pl.BlockSpec((1, DS), fixed),
            pl.BlockSpec((1, DE), fixed),
            pl.BlockSpec((1, 1), fixed),
        ],
        out_specs=[
            pl.BlockSpec((BE, DS), row),
            pl.BlockSpec((BE, DS), row),
        ],
        out_shape=[jax.ShapeDtypeStruct((E, DS), jnp.float32)] * 2,
    )(dd, edges, W1T, bw1, W2T, bw2, WpRow, bp)


def _msg_scatter_body(xv_hbm, src_hbm, dst_hbm, w_hbm, wp_hbm, out_hbm,
                      idx_s, idx_d, rows_v, w_v, wp_v, msg_v, acc,
                      sem1, sem2, sem3):
    cid = lax.axis_index("c")
    sid = lax.axis_index("s")
    wid = sid * NC + cid
    base = wid * EPW

    def zrow(e, c2):
        for c in range(D // 16):
            msg_v[e, pl.ds(c * 16, 16)] = jnp.zeros((16,), jnp.float32)
        return c2

    lax.fori_loop(0, BLK, zrow, 0)

    def _zero_chunk(j):
        pltpu.sync_copy(msg_v, acc.at[pl.ds(j * RCHUNK, RCHUNK)])

    for m in range(8):
        j = sid + NS * m
        pl.when(j < NRCHUNK)(functools.partial(_zero_chunk, j))
    plsc.subcore_barrier()

    def block(b, carry):
        off = base + b * BLK
        pltpu.sync_copy(src_hbm.at[pl.ds(off, BLK)], idx_s)
        pltpu.sync_copy(dst_hbm.at[pl.ds(off, BLK)], idx_d)
        cp1 = pltpu.async_copy(xv_hbm.at[idx_s], rows_v, sem1)
        pltpu.sync_copy(w_hbm.at[pl.ds(off, BLK)], w_v)
        pltpu.sync_copy(wp_hbm.at[pl.ds(off, BLK)], wp_v)
        cp1.wait()

        def edge(e, c2):
            wv = w_v[e, :]
            wpv = wp_v[e, :]
            for c in range(D // 16):
                sl = pl.ds(c * 16, 16)
                msg_v[e, sl] = rows_v[e, sl] * wv + wpv
            return c2

        lax.fori_loop(0, BLK, edge, 0)
        pltpu.sync_copy(msg_v, acc.at[idx_d], add=True)
        return carry

    lax.fori_loop(0, NBLK, block, 0)
    plsc.subcore_barrier()

    def _write_chunk(j):
        sl = pl.ds(j * RCHUNK, RCHUNK)
        pltpu.sync_copy(acc.at[sl], out_hbm.at[cid, sl])

    for m in range(8):
        j = sid + NS * m
        pl.when(j < NRCHUNK)(functools.partial(_write_chunk, j))


def _msg_scatter(xv, src, dst, w, wp):
    f = pl.kernel(
        _msg_scatter_body,
        out_type=jax.ShapeDtypeStruct((NC, N, D), jnp.float32),
        mesh=_sc_mesh,
        scratch_types=[
            pltpu.VMEM((BLK,), jnp.int32),
            pltpu.VMEM((BLK,), jnp.int32),
            pltpu.VMEM((BLK, D), jnp.float32),
            pltpu.VMEM((BLK, DS), jnp.float32),
            pltpu.VMEM((BLK, DS), jnp.float32),
            pltpu.VMEM((BLK, D), jnp.float32),
            pltpu.VMEM_SHARED((N, D), jnp.float32),
            pltpu.SemaphoreType.DMA,
            pltpu.SemaphoreType.DMA,
            pltpu.SemaphoreType.DMA,
        ],
    )
    return f(xv, src, dst, w, wp)


def _sum_body(p, o):
    o[...] = p[0] + p[1]


def _sum_partials(partials):
    BN = 1000
    return pl.pallas_call(
        _sum_body,
        grid=(N // BN,),
        in_specs=[pl.BlockSpec((NC, BN, D), lambda i: (0, i, 0))],
        out_specs=pl.BlockSpec((BN, D), lambda i: (i, 0)),
        out_shape=jax.ShapeDtypeStruct((N, D), jnp.float32),
    )(partials)


def kernel(q, k, v, edges, edge_index, Wq, bq, Wk, bk, Wv, bv, Wp, bp,
           Ww1, bw1, Ww2, bw2):
    dst = edge_index[:, 0]
    src = edge_index[:, 1]
    xq, xk, xv = _project(
        q, k, v,
        Wq.T, bq.reshape(1, D),
        Wk.T, bk.reshape(1, D),
        Wv.T, bv.reshape(1, D),
    )
    dd = _gather_sub(xk, xq, src, dst)
    w, wp = _mlp(
        dd, edges,
        Ww1.T, bw1.reshape(1, DS),
        Ww2.T, bw2.reshape(1, DS),
        Wp.reshape(1, DE), bp.reshape(1, 1),
    )
    partials = _msg_scatter(xv, src, dst, w, wp)
    return _sum_partials(partials)

# --- scband reference (transcript-rebuilt; emitter-appended) ---
"""Pipeline reference for scband-point-transformer-layer-53944789238361 (READ-ONLY COPY).

The authoritative reference and input builder live on the scoring server;
editing this copy changes nothing except your own understanding.
"""

import jax, jax.numpy as jnp
import numpy as np

N_NODES = 10000
N_EDGES = 320000
D = 128          # node_dim (= in_planes = mid_planes = out_planes)
D_EDGE = 16      # edge_dim
S = 8            # share_planes
DS = D // S      # 16


def _uniform(key, shape, fan_in):
    bound = 1.0 / np.sqrt(fan_in)
    return jax.random.uniform(key, shape, jnp.float32, -bound, bound)


def setup_inputs(seed: int = 0) -> dict:
    key = jax.random.key(seed)
    ks = jax.random.split(key, 20)
    inp = {}
    inp["q"] = jax.random.normal(ks[0], (N_NODES, D), jnp.float32)
    inp["k"] = jax.random.normal(ks[1], (N_NODES, D), jnp.float32)
    inp["v"] = jax.random.normal(ks[2], (N_NODES, D), jnp.float32)
    inp["edges"] = jax.random.normal(ks[3], (N_EDGES, D_EDGE), jnp.float32)
    inp["edge_index"] = jax.random.randint(ks[4], (N_EDGES, 2), 0, N_NODES, jnp.int32)
    # learned parameters (torch nn.Linear convention: W is [out, in])
    inp["Wq"] = _uniform(ks[5], (D, D), D);   inp["bq"] = _uniform(ks[6], (D,), D)
    inp["Wk"] = _uniform(ks[7], (D, D), D);   inp["bk"] = _uniform(ks[8], (D,), D)
    inp["Wv"] = _uniform(ks[9], (D, D), D);   inp["bv"] = _uniform(ks[10], (D,), D)
    inp["Wp"] = _uniform(ks[11], (1, D_EDGE), D_EDGE); inp["bp"] = _uniform(ks[12], (1,), D_EDGE)
    inp["Ww1"] = _uniform(ks[13], (DS, D), D); inp["bw1"] = _uniform(ks[14], (DS,), D)
    inp["Ww2"] = _uniform(ks[15], (DS, DS), DS); inp["bw2"] = _uniform(ks[16], (DS,), DS)
    return inp


def reference(q, k, v, edges, edge_index, Wq, bq, Wk, bk, Wv, bv, Wp, bp, Ww1, bw1, Ww2, bw2):
    # node-level projections
    x_q = q @ Wq.T + bq            # [N, D]
    x_k = k @ Wk.T + bk            # [N, D]
    x_v = v @ Wv.T + bv            # [N, D]
    dst = edge_index[:, 0]
    src = edge_index[:, 1]
    # edge-level gathers (SparseCore gather)
    x_q_e = jnp.take(x_q, dst, axis=0)   # [E, D]
    x_k_e = jnp.take(x_k, src, axis=0)   # [E, D]
    x_v_e = jnp.take(x_v, src, axis=0)   # [E, D]
    # positional/edge encoding: linear_p = Linear(edge_dim, 1)
    p_r = edges @ Wp.T + bp              # [E, 1]
    # attention weight MLP: relative key-query difference + edge encoding
    w = x_k_e - x_q_e + p_r              # [E, D] (edge-wise; broadcast of [E,1] p_r)
    w = jax.nn.relu(w)
    w = w @ Ww1.T + bw1                  # [E, D//S]
    w = jax.nn.relu(w)
    w = w @ Ww2.T + bw2                  # [E, D//S]
    w = jax.nn.softmax(w, axis=1)        # nn.Softmax(dim=1)
    n, c = x_v_e.shape
    s = S
    msg = ((x_v_e + p_r).reshape(n, s, c // s) * w[:, None, :]).reshape(n, c)  # [E, D]
    # scatter-sum messages onto destination nodes (SparseCore scatter-add)
    out = jax.ops.segment_sum(msg, dst, num_segments=q.shape[0])               # [N, D]
    return out

if __name__ == "__main__":
    import jax
    _d = setup_inputs()
    print(jax.jit(kernel)(*tuple(_d.values())))

</pallas_src>

<mosaic_0001>
#map = affine_map<(d0, d1) -> (0, 0)>
#map1 = affine_map<(d0, d1) -> (0)>
module attributes {stable_mosaic.version = 14 : i64} {
  func.func @_gather_sub_body(%arg0: i32, %arg1: i32, %arg2: memref<10000x128xf32, #tpu.memory_space<hbm>>, %arg3: memref<10000x128xf32, #tpu.memory_space<hbm>>, %arg4: memref<320000xi32, #tpu.memory_space<hbm>>, %arg5: memref<320000xi32, #tpu.memory_space<hbm>>, %arg6: memref<320000x128xf32, #tpu.memory_space<hbm>>, %arg7: memref<80xi32, #tpu.memory_space<vmem>>, %arg8: memref<80xi32, #tpu.memory_space<vmem>>, %arg9: memref<80x128xf32, #tpu.memory_space<vmem>>, %arg10: memref<80x128xf32, #tpu.memory_space<vmem>>, %arg11: memref<80x128xf32, #tpu.memory_space<vmem>>, %arg12: memref<!tpu.dma_semaphore, #tpu.memory_space<semaphore_mem>>, %arg13: memref<!tpu.dma_semaphore, #tpu.memory_space<semaphore_mem>>, %arg14: memref<!tpu.dma_semaphore, #tpu.memory_space<semaphore_mem>>) attributes {dimension_semantics = [#tpu.dimension_semantics<core_parallel>, #tpu.dimension_semantics<subcore_parallel>], iteration_bounds = array<i64: 2, 16>, scalar_prefetch = 0 : i64, scratch_operands = 8 : i64, tpu.core_type = #tpu.core_type<sc_vector_subcore>, window_params = [{transform_indices = #map}, {transform_indices = #map}, {transform_indices = #map1}, {transform_indices = #map1}, {transform_indices = #map}]} {
    %mul3A = arith.constant 2 : i32
    %mul3A_0 = arith.muli %arg1, %mul3A : i32
    %add3A = arith.addi %mul3A_0, %arg0 : i32
    %mul3A_1 = arith.constant 10000 : i32
    %mul3A_2 = arith.muli %add3A, %mul3A_1 : i32
    %scan3A = arith.constant 0 : i32
    %scan3A_3 = arith.constant 0 : i32
    %scan3A_4 = arith.constant 125 : i32
    %scan3A_5 = arith.addi %scan3A_3, %scan3A_4 : i32
    %scan3A_6 = arith.constant 1 : i32
    scf.for %scan3A_8 = %scan3A_3 to %scan3A_5 step %scan3A_6  : i32 {
      %mul3A_9 = arith.constant 80 : i32
      %mul3A_10 = arith.muli %scan3A_8, %mul3A_9 : i32
      %add3A_11 = arith.addi %mul3A_2, %mul3A_10 : i32
      "tpu.region"() ({
        %run_scoped3A = tpu.sem_alloc : memref<!tpu.dma_semaphore, #tpu.memory_space<semaphore_mem>>
        %dma_start3A_36 = tpu.memref_slice %arg4[%add3A_11] : memref<320000xi32, #tpu.memory_space<hbm>> -> memref<80xi32, #tpu.memory_space<hbm>>
        %dma_start3A_37 = tpu.memref_slice %arg4[%add3A_11] : memref<320000xi32, #tpu.memory_space<hbm>> -> memref<80xi32, #tpu.memory_space<hbm>>
        tpu.enqueue_dma source(%dma_start3A_37 : memref<80xi32, #tpu.memory_space<hbm>>) target(%arg7 : memref<80xi32, #tpu.memory_space<vmem>>) target_semaphore(%run_scoped3A : memref<!tpu.dma_semaphore, #tpu.memory_space<semaphore_mem>>)
        %dma_wait3A_38 = tpu.memref_slice %arg4[%add3A_11] : memref<320000xi32, #tpu.memory_space<hbm>> -> memref<80xi32, #tpu.memory_space<hbm>>
        %dma_wait3A_39 = tpu.memref_slice %arg4[%add3A_11] : memref<320000xi32, #tpu.memory_space<hbm>> -> memref<80xi32, #tpu.memory_space<hbm>>
        tpu.wait_dma2 semaphore(%run_scoped3A : memref<!tpu.dma_semaphore, #tpu.memory_space<semaphore_mem>>) src(%dma_wait3A_39 : memref<80xi32, #tpu.memory_space<hbm>>) dst(%arg7 : memref<80xi32, #tpu.memory_space<vmem>>)
        tpu.yield
      }) : () -> ()
      "tpu.region"() ({
        %run_scoped3A = tpu.sem_alloc : memref<!tpu.dma_semaphore, #tpu.memory_space<semaphore_mem>>
        %dma_start3A_36 = tpu.memref_slice %arg5[%add3A_11] : memref<320000xi32, #tpu.memory_space<hbm>> -> memref<80xi32, #tpu.memory_space<hbm>>
        %dma_start3A_37 = tpu.memref_slice %arg5[%add3A_11] : memref<320000xi32, #tpu.memory_space<hbm>> -> memref<80xi32, #tpu.memory_space<hbm>>
        tpu.enqueue_dma source(%dma_start3A_37 : memref<80xi32, #tpu.memory_space<hbm>>) target(%arg8 : memref<80xi32, #tpu.memory_space<vmem>>) target_semaphore(%run_scoped3A : memref<!tpu.dma_semaphore, #tpu.memory_space<semaphore_mem>>)
        %dma_wait3A_38 = tpu.memref_slice %arg5[%add3A_11] : memref<320000xi32, #tpu.memory_space<hbm>> -> memref<80xi32, #tpu.memory_space<hbm>>
        %dma_wait3A_39 = tpu.memref_slice %arg5[%add3A_11] : memref<320000xi32, #tpu.memory_space<hbm>> -> memref<80xi32, #tpu.memory_space<hbm>>
        tpu.wait_dma2 semaphore(%run_scoped3A : memref<!tpu.dma_semaphore, #tpu.memory_space<semaphore_mem>>) src(%dma_wait3A_39 : memref<80xi32, #tpu.memory_space<hbm>>) dst(%arg8 : memref<80xi32, #tpu.memory_space<vmem>>)
        tpu.yield
      }) : () -> ()
      %dma_start3A = arith.constant 0 : i32
      %dma_start3A_12 = arith.constant 0 : i32
      %dma_start3A_13 = tpu.memref_slice %arg2[%dma_start3A, %dma_start3A_12] : memref<10000x128xf32, #tpu.memory_space<hbm>> -> memref<10000x128xf32, #tpu.memory_space<hbm>>
      tpu.enqueue_indirect_dma source(%dma_start3A_13 : memref<10000x128xf32, #tpu.memory_space<hbm>>) target(%arg9 : memref<80x128xf32, #tpu.memory_space<vmem>>) offsets(%arg7 : memref<80xi32, #tpu.memory_space<vmem>>) semaphore(%arg12 : memref<!tpu.dma_semaphore, #tpu.memory_space<semaphore_mem>>)
      %dma_start3A_14 = arith.constant 0 : i32
      %dma_start3A_15 = arith.constant 0 : i32
      %dma_start3A_16 = tpu.memref_slice %arg3[%dma_start3A_14, %dma_start3A_15] : memref<10000x128xf32, #tpu.memory_space<hbm>> -> memref<10000x128xf32, #tpu.memory_space<hbm>>
      tpu.enqueue_indirect_dma source(%dma_start3A_16 : memref<10000x128xf32, #tpu.memory_space<hbm>>) target(%arg10 : memref<80x128xf32, #tpu.memory_space<vmem>>) offsets(%arg8 : memref<80xi32, #tpu.memory_space<vmem>>) semaphore(%arg13 : memref<!tpu.dma_semaphore, #tpu.memory_space<semaphore_mem>>)
      %dma_wait3A = arith.constant 0 : i32
      %dma_wait3A_17 = arith.constant 0 : i32
      %dma_wait3A_18 = tpu.memref_slice %arg2[%dma_wait3A, %dma_wait3A_17] : memref<10000x128xf32, #tpu.memory_space<hbm>> -> memref<10000x128xf32, #tpu.memory_space<hbm>>
      tpu.wait_indirect_dma semaphore(%arg12 : memref<!tpu.dma_semaphore, #tpu.memory_space<semaphore_mem>>) src(%dma_wait3A_18 : memref<10000x128xf32, #tpu.memory_space<hbm>>) dst(%arg9 : memref<80x128xf32, #tpu.memory_space<vmem>>)
      %dma_wait3A_19 = arith.constant 0 : i32
      %dma_wait3A_20 = arith.constant 0 : i32
      %dma_wait3A_21 = tpu.memref_slice %arg3[%dma_wait3A_19, %dma_wait3A_20] : memref<10000x128xf32, #tpu.memory_space<hbm>> -> memref<10000x128xf32, #tpu.memory_space<hbm>>
      tpu.wait_indirect_dma semaphore(%arg13 : memref<!tpu.dma_semaphore, #tpu.memory_space<semaphore_mem>>) src(%dma_wait3A_21 : memref<10000x128xf32, #tpu.memory_space<hbm>>) dst(%arg10 : memref<80x128xf32, #tpu.memory_space<vmem>>)
      %scan3A_22 = arith.constant 0 : i32
      %scan3A_23 = arith.constant 0 : i32
      %scan3A_24 = arith.constant 80 : i32
      %scan3A_25 = arith.addi %scan3A_23, %scan3A_24 : i32
      %scan3A_26 = arith.constant 1 : i32
      scf.for %scan3A_36 = %scan3A_23 to %scan3A_25 step %scan3A_26  : i32 {
        %get3A = arith.index_cast %scan3A_36 : i32 to index
        %get3A_37 = arith.constant 0 : index
        %get3A_38 = tpu.vector_load %arg9[%get3A, %get3A_37] {strides = array<i32>} : memref<80x128xf32, #tpu.memory_space<vmem>>, vector<1x16xf32>,
        %get3A_39 = vector.shape_cast %get3A_38 : vector<1x16xf32> to vector<16xf32>
        %get3A_40 = arith.index_cast %scan3A_36 : i32 to index
        %get3A_41 = arith.constant 0 : index
        %get3A_42 = tpu.vector_load %arg10[%get3A_40, %get3A_41] {strides = array<i32>} : memref<80x128xf32, #tpu.memory_space<vmem>>, vector<1x16xf32>,
        %get3A_43 = vector.shape_cast %get3A_42 : vector<1x16xf32> to vector<16xf32>
        %sub3A = arith.subf %get3A_39, %get3A_43 : vector<16xf32>
        %swap3A = arith.index_cast %scan3A_36 : i32 to index
        %swap3A_44 = arith.constant 0 : index
        %swap3A_45 = tpu.vector_load %arg11[%swap3A, %swap3A_44] {strides = array<i32>} : memref<80x128xf32, #tpu.memory_space<vmem>>, vector<1x16xf32>,
        %swap3A_46 = vector.shape_cast %swap3A_45 : vector<1x16xf32> to vector<16xf32>
        %swap3A_47 = vector.shape_cast %sub3A : vector<16xf32> to vector<1x16xf32>
        tpu.vector_store %arg11[%swap3A, %swap3A_44], %swap3A_47 {strides = array<i32>} : memref<80x128xf32, #tpu.memory_space<vmem>>, vector<1x16xf32>,
        %get3A_48 = arith.index_cast %scan3A_36 : i32 to index
        %get3A_49 = arith.constant 16 : index
        %get3A_50 = tpu.vector_load %arg9[%get3A_48, %get3A_49] {strides = array<i32>} : memref<80x128xf32, #tpu.memory_space<vmem>>, vector<1x16xf32>,
        %get3A_51 = vector.shape_cast %get3A_50 : vector<1x16xf32> to vector<16xf32>
        %get3A_52 = arith.index_cast %scan3A_36 : i32 to index
        %get3A_53 = arith.constant 16 : index
        %get3A_54 = tpu.vector_load %arg10[%get3A_52, %get3A_53] {strides = array<i32>} : memref<80x128xf32, #tpu.memory_space<vmem>>, vector<1x16xf32>,
        %get3A_55 = vector.shape_cast %get3A_54 : vector<1x16xf32> to vector<16xf32>
        %sub3A_56 = arith.subf %get3A_51, %get3A_55 : vector<16xf32>
        %swap3A_57 = arith.index_cast %scan3A_36 : i32 to index
        %swap3A_58 = arith.constant 16 : index
        %swap3A_59 = tpu.vector_load %arg11[%swap3A_57, %swap3A_58] {strides = array<i32>} : memref<80x128xf32, #tpu.memory_space<vmem>>, vector<1x16xf32>,
        %swap3A_60 = vector.shape_cast %swap3A_59 : vector<1x16xf32> to vector<16xf32>
        %swap3A_61 = vector.shape_cast %sub3A_56 : vector<16xf32> to vector<1x16xf32>
        tpu.vector_store %arg11[%swap3A_57, %swap3A_58], %swap3A_61 {strides = array<i32>} : memref<80x128xf32, #tpu.memory_space<vmem>>, vector<1x16xf32>,
        %get3A_62 = arith.index_cast %scan3A_36 : i32 to index
        %get3A_63 = arith.constant 32 : index
        %get3A_64 = tpu.vector_load %arg9[%get3A_62, %get3A_63] {strides = array<i32>} : memref<80x128xf32, #tpu.memory_space<vmem>>, vector<1x16xf32>,
        %get3A_65 = vector.shape_cast %get3A_64 : vector<1x16xf32> to vector<16xf32>
        %get3A_66 = arith.index_cast %scan3A_36 : i32 to index
        %get3A_67 = arith.constant 32 : index
        %get3A_68 = tpu.vector_load %arg10[%get3A_66, %get3A_67] {strides = array<i32>} : memref<80x128xf32, #tpu.memory_space<vmem>>, vector<1x16xf32>,
        %get3A_69 = vector.shape_cast %get3A_68 : vector<1x16xf32> to vector<16xf32>
        %sub3A_70 = arith.subf %get3A_65, %get3A_69 : vector<16xf32>
        %swap3A_71 = arith.index_cast %scan3A_36 : i32 to index
        %swap3A_72 = arith.constant 32 : index
        %swap3A_73 = tpu.vector_load %arg11[%swap3A_71, %swap3A_72] {strides = array<i32>} : memref<80x128xf32, #tpu.memory_space<vmem>>, vector<1x16xf32>,
        %swap3A_74 = vector.shape_cast %swap3A_73 : vector<1x16xf32> to vector<16xf32>
        %swap3A_75 = vector.shape_cast %sub3A_70 : vector<16xf32> to vector<1x16xf32>
        tpu.vector_store %arg11[%swap3A_71, %swap3A_72], %swap3A_75 {strides = array<i32>} : memref<80x128xf32, #tpu.memory_space<vmem>>, vector<1x16xf32>,
        %get3A_76 = arith.index_cast %scan3A_36 : i32 to index
        %get3A_77 = arith.constant 48 : index
        %get3A_78 = tpu.vector_load %arg9[%get3A_76, %get3A_77] {strides = array<i32>} : memref<80x128xf32, #tpu.memory_space<vmem>>, vector<1x16xf32>,
        %get3A_79 = vector.shape_cast %get3A_78 : vector<1x16xf32> to vector<16xf32>
        %get3A_80 = arith.index_cast %scan3A_36 : i32 to index
        %get3A_81 = arith.constant 48 : index
        %get3A_82 = tpu.vector_load %arg10[%get3A_80, %get3A_81] {strides = array<i32>} : memref<80x128xf32, #tpu.memory_space<vmem>>, vector<1x16xf32>,
        %get3A_83 = vector.shape_cast %get3A_82 : vector<1x16xf32> to vector<16xf32>
        %sub3A_84 = arith.subf %get3A_79, %get3A_83 : vector<16xf32>
        %swap3A_85 = arith.index_cast %scan3A_36 : i32 to index
        %swap3A_86 = arith.constant 48 : index
        %swap3A_87 = tpu.vector_load %arg11[%swap3A_85, %swap3A_86] {strides = array<i32>} : memref<80x128xf32, #tpu.memory_space<vmem>>, vector<1x16xf32>,
        %swap3A_88 = vector.shape_cast %swap3A_87 : vector<1x16xf32> to vector<16xf32>
        %swap3A_89 = vector.shape_cast %sub3A_84 : vector<16xf32> to vector<1x16xf32>
        tpu.vector_store %arg11[%swap3A_85, %swap3A_86], %swap3A_89 {strides = array<i32>} : memref<80x128xf32, #tpu.memory_space<vmem>>, vector<1x16xf32>,
        %get3A_90 = arith.index_cast %scan3A_36 : i32 to index
        %get3A_91 = arith.constant 64 : index
        %get3A_92 = tpu.vector_load %arg9[%get3A_90, %get3A_91] {strides = array<i32>} : memref<80x128xf32, #tpu.memory_space<vmem>>, vector<1x16xf32>,
        %get3A_93 = vector.shape_cast %get3A_92 : vector<1x16xf32> to vector<16xf32>
        %get3A_94 = arith.index_cast %scan3A_36 : i32 to index
        %get3A_95 = arith.constant 64 : index
        %get3A_96 = tpu.vector_load %arg10[%get3A_94, %get3A_95] {strides = array<i32>} : memref<80x128xf32, #tpu.memory_space<vmem>>, vector<1x16xf32>,
        %get3A_97 = vector.shape_cast %get3A_96 : vector<1x16xf32> to vector<16xf32>
        %sub3A_98 = arith.subf %get3A_93, %get3A_97 : vector<16xf32>
        %swap3A_99 = arith.index_cast %scan3A_36 : i32 to index
        %swap3A_100 = arith.constant 64 : index
        %swap3A_101 = tpu.vector_load %arg11[%swap3A_99, %swap3A_100] {strides = array<i32>} : memref<80x128xf32, #tpu.memory_space<vmem>>, vector<1x16xf32>,
        %swap3A_102 = vector.shape_cast %swap3A_101 : vector<1x16xf32> to vector<16xf32>
        %swap3A_103 = vector.shape_cast %sub3A_98 : vector<16xf32> to vector<1x16xf32>
        tpu.vector_store %arg11[%swap3A_99, %swap3A_100], %swap3A_103 {strides = array<i32>} : memref<80x128xf32, #tpu.memory_space<vmem>>, vector<1x16xf32>,
        %get3A_104 = arith.index_cast %scan3A_36 : i32 to index
        %get3A_105 = arith.constant 80 : index
        %get3A_106 = tpu.vector_load %arg9[%get3A_104, %get3A_105] {strides = array<i32>} : memref<80x128xf32, #tpu.memory_space<vmem>>, vector<1x16xf32>,
        %get3A_107 = vector.shape_cast %get3A_106 : vector<1x16xf32> to vector<16xf32>
        %get3A_108 = arith.index_cast %scan3A_36 : i32 to index
        %get3A_109 = arith.constant 80 : index
        %get3A_110 = tpu.vector_load %arg10[%get3A_108, %get3A_109] {strides = array<i32>} : memref<80x128xf32, #tpu.memory_space<vmem>>, vector<1x16xf32>,
        %get3A_111 = vector.shape_cast %get3A_110 : vector<1x16xf32> to vector<16xf32>
        %sub3A_112 = arith.subf %get3A_107, %get3A_111 : vector<16xf32>
        %swap3A_113 = arith.index_cast %scan3A_36 : i32 to index
        %swap3A_114 = arith.constant 80 : index
        %swap3A_115 = tpu.vector_load %arg11[%swap3A_113, %swap3A_114] {strides = array<i32>} : memref<80x128xf32, #tpu.memory_space<vmem>>, vector<1x16xf32>,
        %swap3A_116 = vector.shape_cast %swap3A_115 : vector<1x16xf32> to vector<16xf32>
        %swap3A_117 = vector.shape_cast %sub3A_112 : vector<16xf32> to vector<1x16xf32>
        tpu.vector_store %arg11[%swap3A_113, %swap3A_114], %swap3A_117 {strides = array<i32>} : memref<80x128xf32, #tpu.memory_space<vmem>>, vector<1x16xf32>,
        %get3A_118 = arith.index_cast %scan3A_36 : i32 to index
        %get3A_119 = arith.constant 96 : index
        %get3A_120 = tpu.vector_load %arg9[%get3A_118, %get3A_119] {strides = array<i32>} : memref<80x128xf32, #tpu.memory_space<vmem>>, vector<1x16xf32>,
        %get3A_121 = vector.shape_cast %get3A_120 : vector<1x16xf32> to vector<16xf32>
        %get3A_122 = arith.index_cast %scan3A_36 : i32 to index
        %get3A_123 = arith.constant 96 : index
        %get3A_124 = tpu.vector_load %arg10[%get3A_122, %get3A_123] {strides = array<i32>} : memref<80x128xf32, #tpu.memory_space<vmem>>, vector<1x16xf32>,
        %get3A_125 = vector.shape_cast %get3A_124 : vector<1x16xf32> to vector<16xf32>
        %sub3A_126 = arith.subf %get3A_121, %get3A_125 : vector<16xf32>
        %swap3A_127 = arith.index_cast %scan3A_36 : i32 to index
        %swap3A_128 = arith.constant 96 : index
        %swap3A_129 = tpu.vector_load %arg11[%swap3A_127, %swap3A_128] {strides = array<i32>} : memref<80x128xf32, #tpu.memory_space<vmem>>, vector<1x16xf32>,
        %swap3A_130 = vector.shape_cast %swap3A_129 : vector<1x16xf32> to vector<16xf32>
        %swap3A_131 = vector.shape_cast %sub3A_126 : vector<16xf32> to vector<1x16xf32>
        tpu.vector_store %arg11[%swap3A_127, %swap3A_128], %swap3A_131 {strides = array<i32>} : memref<80x128xf32, #tpu.memory_space<vmem>>, vector<1x16xf32>,
        %get3A_132 = arith.index_cast %scan3A_36 : i32 to index
        %get3A_133 = arith.constant 112 : index
        %get3A_134 = tpu.vector_load %arg9[%get3A_132, %get3A_133] {strides = array<i32>} : memref<80x128xf32, #tpu.memory_space<vmem>>, vector<1x16xf32>,
        %get3A_135 = vector.shape_cast %get3A_134 : vector<1x16xf32> to vector<16xf32>
        %get3A_136 = arith.index_cast %scan3A_36 : i32 to index
        %get3A_137 = arith.constant 112 : index
        %get3A_138 = tpu.vector_load %arg10[%get3A_136, %get3A_137] {strides = array<i32>} : memref<80x128xf32, #tpu.memory_space<vmem>>, vector<1x16xf32>,
        %get3A_139 = vector.shape_cast %get3A_138 : vector<1x16xf32> to vector<16xf32>
        %sub3A_140 = arith.subf %get3A_135, %get3A_139 : vector<16xf32>
        %swap3A_141 = arith.index_cast %scan3A_36 : i32 to index
        %swap3A_142 = arith.constant 112 : index
        %swap3A_143 = tpu.vector_load %arg11[%swap3A_141, %swap3A_142] {strides = array<i32>} : memref<80x128xf32, #tpu.memory_space<vmem>>, vector<1x16xf32>,
        %swap3A_144 = vector.shape_cast %swap3A_143 : vector<1x16xf32> to vector<16xf32>
        %swap3A_145 = vector.shape_cast %sub3A_140 : vector<16xf32> to vector<1x16xf32>
        tpu.vector_store %arg11[%swap3A_141, %swap3A_142], %swap3A_145 {strides = array<i32>} : memref<80x128xf32, #tpu.memory_space<vmem>>, vector<1x16xf32>,
      }
      %scan3A_27 = arith.constant 80 : i32
      %dma_start3A_28 = arith.constant 0 : i32
      %dma_start3A_29 = tpu.memref_slice %arg6[%add3A_11, %dma_start3A_28] : memref<320000x128xf32, #tpu.memory_space<hbm>> -> memref<80x128xf32, #tpu.memory_space<hbm>>
      %dma_start3A_30 = arith.constant 0 : i32
      %dma_start3A_31 = tpu.memref_slice %arg6[%add3A_11, %dma_start3A_30] : memref<320000x128xf32, #tpu.memory_space<hbm>> -> memref<80x128xf32, #tpu.memory_space<hbm>>
      tpu.enqueue_dma source(%arg11 : memref<80x128xf32, #tpu.memory_space<vmem>>) target(%dma_start3A_31 : memref<80x128xf32, #tpu.memory_space<hbm>>) target_semaphore(%arg14 : memref<!tpu.dma_semaphore, #tpu.memory_space<semaphore_mem>>)
      %dma_wait3A_32 = arith.constant 0 : i32
      %dma_wait3A_33 = tpu.memref_slice %arg6[%add3A_11, %dma_wait3A_32] : memref<320000x128xf32, #tpu.memory_space<hbm>> -> memref<80x128xf32, #tpu.memory_space<hbm>>
      %dma_wait3A_34 = arith.constant 0 : i32
      %dma_wait3A_35 = tpu.memref_slice %arg6[%add3A_11, %dma_wait3A_34] : memref<320000x128xf32, #tpu.memory_space<hbm>> -> memref<80x128xf32, #tpu.memory_space<hbm>>
      tpu.wait_dma2 semaphore(%arg14 : memref<!tpu.dma_semaphore, #tpu.memory_space<semaphore_mem>>) src(%arg11 : memref<80x128xf32, #tpu.memory_space<vmem>>) dst(%dma_wait3A_35 : memref<80x128xf32, #tpu.memory_space<hbm>>)
    }
    %scan3A_7 = arith.constant 125 : i32
    return
  }
}

#map = affine_map<(d0, d1) -> (0, 0)>
#map1 = affine_map<(d0, d1) -> (0)>
#map2 = affine_map<(d0, d1) -> (0, 0, 0)>
module attributes {stable_mosaic.version = 14 : i64} {
  func.func @_msg_scatter_body(%arg0: i32, %arg1: i32, %arg2: memref<10000x128xf32, #tpu.memory_space<hbm>>, %arg3: memref<320000xi32, #tpu.memory_space<hbm>>, %arg4: memref<320000xi32, #tpu.memory_space<hbm>>, %arg5: memref<320000x16xf32, #tpu.memory_space<hbm>>, %arg6: memref<320000x16xf32, #tpu.memory_space<hbm>>, %arg7: memref<2x10000x128xf32, #tpu.memory_space<hbm>>, %arg8: memref<80xi32, #tpu.memory_space<vmem>>, %arg9: memref<80xi32, #tpu.memory_space<vmem>>, %arg10: memref<80x128xf32, #tpu.memory_space<vmem>>, %arg11: memref<80x16xf32, #tpu.memory_space<vmem>>, %arg12: memref<80x16xf32, #tpu.memory_space<vmem>>, %arg13: memref<80x128xf32, #tpu.memory_space<vmem>>, %arg14: memref<10000x128xf32, #tpu.memory_space<vmem_shared>>, %arg15: memref<!tpu.dma_semaphore, #tpu.memory_space<semaphore_mem>>, %arg16: memref<!tpu.dma_semaphore, #tpu.memory_space<semaphore_mem>>, %arg17: memref<!tpu.dma_semaphore, #tpu.memory_space<semaphore_mem>>) attributes {dimension_semantics = [#tpu.dimension_semantics<core_parallel>, #tpu.dimension_semantics<subcore_parallel>], iteration_bounds = array<i64: 2, 16>, scalar_prefetch = 0 : i64, scratch_operands = 10 : i64, tpu.core_type = #tpu.core_type<sc_vector_subcore>, window_params = [{transform_indices = #map}, {transform_indices = #map1}, {transform_indices = #map1}, {transform_indices = #map}, {transform_indices = #map}, {transform_indices = #map2}]} {
    %mul3A = arith.constant 2 : i32
    %mul3A_0 = arith.muli %arg1, %mul3A : i32
    %add3A = arith.addi %mul3A_0, %arg0 : i32
    %mul3A_1 = arith.constant 10000 : i32
    %mul3A_2 = arith.muli %add3A, %mul3A_1 : i32
    %scan3A = arith.constant 0 : i32
    %scan3A_3 = arith.constant 0 : i32
    %scan3A_4 = arith.constant 80 : i32
    %scan3A_5 = arith.addi %scan3A_3, %scan3A_4 : i32
    %scan3A_6 = arith.constant 1 : i32
    scf.for %scan3A_124 = %scan3A_3 to %scan3A_5 step %scan3A_6  : i32 {
      %broadcast_in_dim3A = arith.constant 0.000000e+00 : f32
      %broadcast_in_dim3A_125 = vector.broadcast %broadcast_in_dim3A : f32 to vector<16xf32>
      %swap3A = arith.index_cast %scan3A_124 : i32 to index
      %swap3A_126 = arith.constant 0 : index
      %swap3A_127 = tpu.vector_load %arg13[%swap3A, %swap3A_126] {strides = array<i32>} : memref<80x128xf32, #tpu.memory_space<vmem>>, vector<1x16xf32>,
      %swap3A_128 = vector.shape_cast %swap3A_127 : vector<1x16xf32> to vector<16xf32>
      %swap3A_129 = vector.shape_cast %broadcast_in_dim3A_125 : vector<16xf32> to vector<1x16xf32>
      tpu.vector_store %arg13[%swap3A, %swap3A_126], %swap3A_129 {strides = array<i32>} : memref<80x128xf32, #tpu.memory_space<vmem>>, vector<1x16xf32>,
      %broadcast_in_dim3A_130 = arith.constant 0.000000e+00 : f32
      %broadcast_in_dim3A_131 = vector.broadcast %broadcast_in_dim3A_130 : f32 to vector<16xf32>
      %swap3A_132 = arith.index_cast %scan3A_124 : i32 to index
      %swap3A_133 = arith.constant 16 : index
      %swap3A_134 = tpu.vector_load %arg13[%swap3A_132, %swap3A_133] {strides = array<i32>} : memref<80x128xf32, #tpu.memory_space<vmem>>, vector<1x16xf32>,
      %swap3A_135 = vector.shape_cast %swap3A_134 : vector<1x16xf32> to vector<16xf32>
      %swap3A_136 = vector.shape_cast %broadcast_in_dim3A_131 : vector<16xf32> to vector<1x16xf32>
      tpu.vector_store %arg13[%swap3A_132, %swap3A_133], %swap3A_136 {strides = array<i32>} : memref<80x128xf32, #tpu.memory_space<vmem>>, vector<1x16xf32>,
      %broadcast_in_dim3A_137 = arith.constant 0.000000e+00 : f32
      %broadcast_in_dim3A_138 = vector.broadcast %broadcast_in_dim3A_137 : f32 to vector<16xf32>
      %swap3A_139 = arith.index_cast %scan3A_124 : i32 to index
      %swap3A_140 = arith.constant 32 : index
      %swap3A_141 = tpu.vector_load %arg13[%swap3A_139, %swap3A_140] {strides = array<i32>} : memref<80x128xf32, #tpu.memory_space<vmem>>, vector<1x16xf32>,
      %swap3A_142 = vector.shape_cast %swap3A_141 : vector<1x16xf32> to vector<16xf32>
      %swap3A_143 = vector.shape_cast %broadcast_in_dim3A_138 : vector<16xf32> to vector<1x16xf32>
      tpu.vector_store %arg13[%swap3A_139, %swap3A_140], %swap3A_143 {strides = array<i32>} : memref<80x128xf32, #tpu.memory_space<vmem>>, vector<1x16xf32>,
      %broadcast_in_dim3A_144 = arith.constant 0.000000e+00 : f32
      %broadcast_in_dim3A_145 = vector.broadcast %broadcast_in_dim3A_144 : f32 to vector<16xf32>
      %swap3A_146 = arith.index_cast %scan3A_124 : i32 to index
      %swap3A_147 = arith.constant 48 : index
      %swap3A_148 = tpu.vector_load %arg13[%swap3A_146, %swap3A_147] {strides = array<i32>} : memref<80x128xf32, #tpu.memory_space<vmem>>, vector<1x16xf32>,
      %swap3A_149 = vector.shape_cast %swap3A_148 : vector<1x16xf32> to vector<16xf32>
      %swap3A_150 = vector.shape_cast %broadcast_in_dim3A_145 : vector<16xf32> to vector<1x16xf32>
      tpu.vector_store %arg13[%swap3A_146, %swap3A_147], %swap3A_150 {strides = array<i32>} : memref<80x128xf32, #tpu.memory_space<vmem>>, vector<1x16xf32>,
      %broadcast_in_dim3A_151 = arith.constant 0.000000e+00 : f32
      %broadcast_in_dim3A_152 = vector.broadcast %broadcast_in_dim3A_151 : f32 to vector<16xf32>
      %swap3A_153 = arith.index_cast %scan3A_124 : i32 to index
      %swap3A_154 = arith.constant 64 : index
      %swap3A_155 = tpu.vector_load %arg13[%swap3A_153, %swap3A_154] {strides = array<i32>} : memref<80x128xf32, #tpu.memory_space<vmem>>, vector<1x16xf32>,
      %swap3A_156 = vector.shape_cast %swap3A_155 : vector<1x16xf32> to vector<16xf32>
      %swap3A_157 = vector.shape_cast %broadcast_in_dim3A_152 : vector<16xf32> to vector<1x16xf32>
      tpu.vector_store %arg13[%swap3A_153, %swap3A_154], %swap3A_157 {strides = array<i32>} : memref<80x128xf32, #tpu.memory_space<vmem>>, vector<1x16xf32>,
      %broadcast_in_dim3A_158 = arith.constant 0.000000e+00 : f32
      %broadcast_in_dim3A_159 = vector.broadcast %broadcast_in_dim3A_158 : f32 to vector<16xf32>
      %swap3A_160 = arith.index_cast %scan3A_124 : i32 to index
      %swap3A_161 = arith.constant 80 : index
      %swap3A_162 = tpu.vector_load %arg13[%swap3A_160, %swap3A_161] {strides = array<i32>} : memref<80x128xf32, #tpu.memory_space<vmem>>, vector<1x16xf32>,
      %swap3A_163 = vector.shape_cast %swap3A_162 : vector<1x16xf32> to vector<16xf32>
      %swap3A_164 = vector.shape_cast %broadcast_in_dim3A_159 : vector<16xf32> to vector<1x16xf32>
      tpu.vector_store %arg13[%swap3A_160, %swap3A_161], %swap3A_164 {strides = array<i32>} : memref<80x128xf32, #tpu.memory_space<vmem>>, vector<1x16xf32>,
      %broadcast_in_dim3A_165 = arith.constant 0.000000e+00 : f32
      %broadcast_in_dim3A_166 = vector.broadcast %broadcast_in_dim3A_165 : f32 to vector<16xf32>
      %swap3A_167 = arith.index_cast %scan3A_124 : i32 to index
      %swap3A_168 = arith.constant 96 : index
      %swap3A_169 = tpu.vector_load %arg13[%swap3A_167, %swap3A_168] {strides = array<i32>} : memref<80x128xf32, #tpu.memory_space<vmem>>, vector<1x16xf32>,
      %swap3A_170 = vector.shape_cast %swap3A_169 : vector<1x16xf32> to vector<16xf32>
      %swap3A_171 = vector.shape_cast %broadcast_in_dim3A_166 : vector<16xf32> to vector<1x16xf32>
      tpu.vector_store %arg13[%swap3A_167, %swap3A_168], %swap3A_171 {strides = array<i32>} : memref<80x128xf32, #tpu.memory_space<vmem>>, vector<1x16xf32>,
      %broadcast_in_dim3A_172 = arith.constant 0.000000e+00 : f32
      %broadcast_in_dim3A_173 = vector.broadcast %broadcast_in_dim3A_172 : f32 to vector<16xf32>
      %swap3A_174 = arith.index_cast %scan3A_124 : i32 to index
      %swap3A_175 = arith.constant 112 : index
      %swap3A_176 = tpu.vector_load %arg13[%swap3A_174, %swap3A_175] {strides = array<i32>} : memref<80x128xf32, #tpu.memory_space<vmem>>, vector<1x16xf32>,
      %swap3A_177 = vector.shape_cast %swap3A_176 : vector<1x16xf32> to vector<16xf32>
      %swap3A_178 = vector.shape_cast %broadcast_in_dim3A_173 : vector<16xf32> to vector<1x16xf32>
      tpu.vector_store %arg13[%swap3A_174, %swap3A_175], %swap3A_178 {strides = array<i32>} : memref<80x128xf32, #tpu.memory_space<vmem>>, vector<1x16xf32>,
    }
    %scan3A_7 = arith.constant 80 : i32
    %add3A_8 = arith.constant 0 : i32
    %add3A_9 = arith.addi %arg1, %add3A_8 : i32
    %lt3A = arith.constant 125 : i32
    %lt3A_10 = arith.cmpi slt, %add3A_9, %lt3A : i32
    %convert_element_type3A = arith.extui %lt3A_10 : i1 to i32
    %cond3A = arith.constant 0 : i32
    %cond3A_11 = arith.cmpi ne, %convert_element_type3A, %cond3A : i32
    scf.if %cond3A_11 {
      %mul3A_124 = arith.constant 80 : i32
      %mul3A_125 = arith.muli %add3A_9, %mul3A_124 : i32
      "tpu.region"() ({
        %run_scoped3A = tpu.sem_alloc : memref<!tpu.dma_semaphore, #tpu.memory_space<semaphore_mem>>
        %dma_start3A = arith.constant 0 : i32
        %dma_start3A_126 = tpu.memref_slice %arg14[%mul3A_125, %dma_start3A] : memref<10000x128xf32, #tpu.memory_space<vmem_shared>> -> memref<80x128xf32, #tpu.memory_space<vmem_shared>>
        %dma_start3A_127 = arith.constant 0 : i32
        %dma_start3A_128 = tpu.memref_slice %arg14[%mul3A_125, %dma_start3A_127] : memref<10000x128xf32, #tpu.memory_space<vmem_shared>> -> memref<80x128xf32, #tpu.memory_space<vmem_shared>>
        tpu.enqueue_dma source(%arg13 : memref<80x128xf32, #tpu.memory_space<vmem>>) target(%dma_start3A_128 : memref<80x128xf32, #tpu.memory_space<vmem_shared>>) target_semaphore(%run_scoped3A : memref<!tpu.dma_semaphore, #tpu.memory_space<semaphore_mem>>)
        %dma_wait3A = arith.constant 0 : i32
        %dma_wait3A_129 = tpu.memref_slice %arg14[%mul3A_125, %dma_wait3A] : memref<10000x128xf32, #tpu.memory_space<vmem_shared>> -> memref<80x128xf32, #tpu.memory_space<vmem_shared>>
        %dma_wait3A_130 = arith.constant 0 : i32
        %dma_wait3A_131 = tpu.memref_slice %arg14[%mul3A_125, %dma_wait3A_130] : memref<10000x128xf32, #tpu.memory_space<vmem_shared>> -> memref<80x128xf32, #tpu.memory_space<vmem_shared>>
        tpu.wait_dma2 semaphore(%run_scoped3A : memref<!tpu.dma_semaphore, #tpu.memory_space<semaphore_mem>>) src(%arg13 : memref<80x128xf32, #tpu.memory_space<vmem>>) dst(%dma_wait3A_131 : memref<80x128xf32, #tpu.memory_space<vmem_shared>>)
        tpu.yield
      }) : () -> ()
    } else {
    }
    %add3A_12 = arith.constant 16 : i32
    %add3A_13 = arith.addi %arg1, %add3A_12 : i32
    %lt3A_14 = arith.constant 125 : i32
    %lt3A_15 = arith.cmpi slt, %add3A_13, %lt3A_14 : i32
    %convert_element_type3A_16 = arith.extui %lt3A_15 : i1 to i32
    %cond3A_17 = arith.constant 0 : i32
    %cond3A_18 = arith.cmpi ne, %convert_element_type3A_16, %cond3A_17 : i32
    scf.if %cond3A_18 {
      %mul3A_124 = arith.constant 80 : i32
      %mul3A_125 = arith.muli %add3A_13, %mul3A_124 : i32
      "tpu.region"() ({
        %run_scoped3A = tpu.sem_alloc : memref<!tpu.dma_semaphore, #tpu.memory_space<semaphore_mem>>
        %dma_start3A = arith.constant 0 : i32
        %dma_start3A_126 = tpu.memref_slice %arg14[%mul3A_125, %dma_start3A] : memref<10000x128xf32, #tpu.memory_space<vmem_shared>> -> memref<80x128xf32, #tpu.memory_space<vmem_shared>>
        %dma_start3A_127 = arith.constant 0 : i32
        %dma_start3A_128 = tpu.memref_slice %arg14[%mul3A_125, %dma_start3A_127] : memref<10000x128xf32, #tpu.memory_space<vmem_shared>> -> memref<80x128xf32, #tpu.memory_space<vmem_shared>>
        tpu.enqueue_dma source(%arg13 : memref<80x128xf32, #tpu.memory_space<vmem>>) target(%dma_start3A_128 : memref<80x128xf32, #tpu.memory_space<vmem_shared>>) target_semaphore(%run_scoped3A : memref<!tpu.dma_semaphore, #tpu.memory_space<semaphore_mem>>)
        %dma_wait3A = arith.constant 0 : i32
        %dma_wait3A_129 = tpu.memref_slice %arg14[%mul3A_125, %dma_wait3A] : memref<10000x128xf32, #tpu.memory_space<vmem_shared>> -> memref<80x128xf32, #tpu.memory_space<vmem_shared>>
        %dma_wait3A_130 = arith.constant 0 : i32
        %dma_wait3A_131 = tpu.memref_slice %arg14[%mul3A_125, %dma_wait3A_130] : memref<10000x128xf32, #tpu.memory_space<vmem_shared>> -> memref<80x128xf32, #tpu.memory_space<vmem_shared>>
        tpu.wait_dma2 semaphore(%run_scoped3A : memref<!tpu.dma_semaphore, #tpu.memory_space<semaphore_mem>>) src(%arg13 : memref<80x128xf32, #tpu.memory_space<vmem>>) dst(%dma_wait3A_131 : memref<80x128xf32, #tpu.memory_space<vmem_shared>>)
        tpu.yield
      }) : () -> ()
    } else {
    }
    %add3A_19 = arith.constant 32 : i32
    %add3A_20 = arith.addi %arg1, %add3A_19 : i32
    %lt3A_21 = arith.constant 125 : i32
    %lt3A_22 = arith.cmpi slt, %add3A_20, %lt3A_21 : i32
    %convert_element_type3A_23 = arith.extui %lt3A_22 : i1 to i32
    %cond3A_24 = arith.constant 0 : i32
    %cond3A_25 = arith.cmpi ne, %convert_element_type3A_23, %cond3A_24 : i32
    scf.if %cond3A_25 {
      %mul3A_124 = arith.constant 80 : i32
      %mul3A_125 = arith.muli %add3A_20, %mul3A_124 : i32
      "tpu.region"() ({
        %run_scoped3A = tpu.sem_alloc : memref<!tpu.dma_semaphore, #tpu.memory_space<semaphore_mem>>
        %dma_start3A = arith.constant 0 : i32
        %dma_start3A_126 = tpu.memref_slice %arg14[%mul3A_125, %dma_start3A] : memref<10000x128xf32, #tpu.memory_space<vmem_shared>> -> memref<80x128xf32, #tpu.memory_space<vmem_shared>>
        %dma_start3A_127 = arith.constant 0 : i32
        %dma_start3A_128 = tpu.memref_slice %arg14[%mul3A_125, %dma_start3A_127] : memref<10000x128xf32, #tpu.memory_space<vmem_shared>> -> memref<80x128xf32, #tpu.memory_space<vmem_shared>>
        tpu.enqueue_dma source(%arg13 : memref<80x128xf32, #tpu.memory_space<vmem>>) target(%dma_start3A_128 : memref<80x128xf32, #tpu.memory_space<vmem_shared>>) target_semaphore(%run_scoped3A : memref<!tpu.dma_semaphore, #tpu.memory_space<semaphore_mem>>)
        %dma_wait3A = arith.constant 0 : i32
        %dma_wait3A_129 = tpu.memref_slice %arg14[%mul3A_125, %dma_wait3A] : memref<10000x128xf32, #tpu.memory_space<vmem_shared>> -> memref<80x128xf32, #tpu.memory_space<vmem_shared>>
        %dma_wait3A_130 = arith.constant 0 : i32
        %dma_wait3A_131 = tpu.memref_slice %arg14[%mul3A_125, %dma_wait3A_130] : memref<10000x128xf32, #tpu.memory_space<vmem_shared>> -> memref<80x128xf32, #tpu.memory_space<vmem_shared>>
        tpu.wait_dma2 semaphore(%run_scoped3A : memref<!tpu.dma_semaphore, #tpu.memory_space<semaphore_mem>>) src(%arg13 : memref<80x128xf32, #tpu.memory_space<vmem>>) dst(%dma_wait3A_131 : memref<80x128xf32, #tpu.memory_space<vmem_shared>>)
        tpu.yield
      }) : () -> ()
    } else {
    }
    %add3A_26 = arith.constant 48 : i32
    %add3A_27 = arith.addi %arg1, %add3A_26 : i32
    %lt3A_28 = arith.constant 125 : i32
    %lt3A_29 = arith.cmpi slt, %add3A_27, %lt3A_28 : i32
    %convert_element_type3A_30 = arith.extui %lt3A_29 : i1 to i32
    %cond3A_31 = arith.constant 0 : i32
    %cond3A_32 = arith.cmpi ne, %convert_element_type3A_30, %cond3A_31 : i32
    scf.if %cond3A_32 {
      %mul3A_124 = arith.constant 80 : i32
      %mul3A_125 = arith.muli %add3A_27, %mul3A_124 : i32
      "tpu.region"() ({
        %run_scoped3A = tpu.sem_alloc : memref<!tpu.dma_semaphore, #tpu.memory_space<semaphore_mem>>
        %dma_start3A = arith.constant 0 : i32
        %dma_start3A_126 = tpu.memref_slice %arg14[%mul3A_125, %dma_start3A] : memref<10000x128xf32, #tpu.memory_space<vmem_shared>> -> memref<80x128xf32, #tpu.memory_space<vmem_shared>>
        %dma_start3A_127 = arith.constant 0 : i32
        %dma_start3A_128 = tpu.memref_slice %arg14[%mul3A_125, %dma_start3A_127] : memref<10000x128xf32, #tpu.memory_space<vmem_shared>> -> memref<80x128xf32, #tpu.memory_space<vmem_shared>>
        tpu.enqueue_dma source(%arg13 : memref<80x128xf32, #tpu.memory_space<vmem>>) target(%dma_start3A_128 : memref<80x128xf32, #tpu.memory_space<vmem_shared>>) target_semaphore(%run_scoped3A : memref<!tpu.dma_semaphore, #tpu.memory_space<semaphore_mem>>)
        %dma_wait3A = arith.constant 0 : i32
        %dma_wait3A_129 = tpu.memref_slice %arg14[%mul3A_125, %dma_wait3A] : memref<10000x128xf32, #tpu.memory_space<vmem_shared>> -> memref<80x128xf32, #tpu.memory_space<vmem_shared>>
        %dma_wait3A_130 = arith.constant 0 : i32
        %dma_wait3A_131 = tpu.memref_slice %arg14[%mul3A_125, %dma_wait3A_130] : memref<10000x128xf32, #tpu.memory_space<vmem_shared>> -> memref<80x128xf32, #tpu.memory_space<vmem_shared>>
        tpu.wait_dma2 semaphore(%run_scoped3A : memref<!tpu.dma_semaphore, #tpu.memory_space<semaphore_mem>>) src(%arg13 : memref<80x128xf32, #tpu.memory_space<vmem>>) dst(%dma_wait3A_131 : memref<80x128xf32, #tpu.memory_space<vmem_shared>>)
        tpu.yield
      }) : () -> ()
    } else {
    }
    %add3A_33 = arith.constant 64 : i32
    %add3A_34 = arith.addi %arg1, %add3A_33 : i32
    %lt3A_35 = arith.constant 125 : i32
    %lt3A_36 = arith.cmpi slt, %add3A_34, %lt3A_35 : i32
    %convert_element_type3A_37 = arith.extui %lt3A_36 : i1 to i32
    %cond3A_38 = arith.constant 0 : i32
    %cond3A_39 = arith.cmpi ne, %convert_element_type3A_37, %cond3A_38 : i32
    scf.if %cond3A_39 {
      %mul3A_124 = arith.constant 80 : i32
      %mul3A_125 = arith.muli %add3A_34, %mul3A_124 : i32
      "tpu.region"() ({
        %run_scoped3A = tpu.sem_alloc : memref<!tpu.dma_semaphore, #tpu.memory_space<semaphore_mem>>
        %dma_start3A = arith.constant 0 : i32
        %dma_start3A_126 = tpu.memref_slice %arg14[%mul3A_125, %dma_start3A] : memref<10000x128xf32, #tpu.memory_space<vmem_shared>> -> memref<80x128xf32, #tpu.memory_space<vmem_shared>>
        %dma_start3A_127 = arith.constant 0 : i32
        %dma_start3A_128 = tpu.memref_slice %arg14[%mul3A_125, %dma_start3A_127] : memref<10000x128xf32, #tpu.memory_space<vmem_shared>> -> memref<80x128xf32, #tpu.memory_space<vmem_shared>>
        tpu.enqueue_dma source(%arg13 : memref<80x128xf32, #tpu.memory_space<vmem>>) target(%dma_start3A_128 : memref<80x128xf32, #tpu.memory_space<vmem_shared>>) target_semaphore(%run_scoped3A : memref<!tpu.dma_semaphore, #tpu.memory_space<semaphore_mem>>)
        %dma_wait3A = arith.constant 0 : i32
        %dma_wait3A_129 = tpu.memref_slice %arg14[%mul3A_125, %dma_wait3A] : memref<10000x128xf32, #tpu.memory_space<vmem_shared>> -> memref<80x128xf32, #tpu.memory_space<vmem_shared>>
        %dma_wait3A_130 = arith.constant 0 : i32
        %dma_wait3A_131 = tpu.memref_slice %arg14[%mul3A_125, %dma_wait3A_130] : memref<10000x128xf32, #tpu.memory_space<vmem_shared>> -> memref<80x128xf32, #tpu.memory_space<vmem_shared>>
        tpu.wait_dma2 semaphore(%run_scoped3A : memref<!tpu.dma_semaphore, #tpu.memory_space<semaphore_mem>>) src(%arg13 : memref<80x128xf32, #tpu.memory_space<vmem>>) dst(%dma_wait3A_131 : memref<80x128xf32, #tpu.memory_space<vmem_shared>>)
        tpu.yield
      }) : () -> ()
    } else {
    }
    %add3A_40 = arith.constant 80 : i32
    %add3A_41 = arith.addi %arg1, %add3A_40 : i32
    %lt3A_42 = arith.constant 125 : i32
    %lt3A_43 = arith.cmpi slt, %add3A_41, %lt3A_42 : i32
    %convert_element_type3A_44 = arith.extui %lt3A_43 : i1 to i32
    %cond3A_45 = arith.constant 0 : i32
    %cond3A_46 = arith.cmpi ne, %convert_element_type3A_44, %cond3A_45 : i32
    scf.if %cond3A_46 {
      %mul3A_124 = arith.constant 80 : i32
      %mul3A_125 = arith.muli %add3A_41, %mul3A_124 : i32
      "tpu.region"() ({
        %run_scoped3A = tpu.sem_alloc : memref<!tpu.dma_semaphore, #tpu.memory_space<semaphore_mem>>
        %dma_start3A = arith.constant 0 : i32
        %dma_start3A_126 = tpu.memref_slice %arg14[%mul3A_125, %dma_start3A] : memref<10000x128xf32, #tpu.memory_space<vmem_shared>> -> memref<80x128xf32, #tpu.memory_space<vmem_shared>>
        %dma_start3A_127 = arith.constant 0 : i32
        %dma_start3A_128 = tpu.memref_slice %arg14[%mul3A_125, %dma_start3A_127] : memref<10000x128xf32, #tpu.memory_space<vmem_shared>> -> memref<80x128xf32, #tpu.memory_space<vmem_shared>>
        tpu.enqueue_dma source(%arg13 : memref<80x128xf32, #tpu.memory_space<vmem>>) target(%dma_start3A_128 : memref<80x128xf32, #tpu.memory_space<vmem_shared>>) target_semaphore(%run_scoped3A : memref<!tpu.dma_semaphore, #tpu.memory_space<semaphore_mem>>)
        %dma_wait3A = arith.constant 0 : i32
        %dma_wait3A_129 = tpu.memref_slice %arg14[%mul3A_125, %dma_wait3A] : memref<10000x128xf32, #tpu.memory_space<vmem_shared>> -> memref<80x128xf32, #tpu.memory_space<vmem_shared>>
        %dma_wait3A_130 = arith.constant 0 : i32
        %dma_wait3A_131 = tpu.memref_slice %arg14[%mul3A_125, %dma_wait3A_130] : memref<10000x128xf32, #tpu.memory_space<vmem_shared>> -> memref<80x128xf32, #tpu.memory_space<vmem_shared>>
        tpu.wait_dma2 semaphore(%run_scoped3A : memref<!tpu.dma_semaphore, #tpu.memory_space<semaphore_mem>>) src(%arg13 : memref<80x128xf32, #tpu.memory_space<vmem>>) dst(%dma_wait3A_131 : memref<80x128xf32, #tpu.memory_space<vmem_shared>>)
        tpu.yield
      }) : () -> ()
    } else {
    }
    %add3A_47 = arith.constant 96 : i32
    %add3A_48 = arith.addi %arg1, %add3A_47 : i32
    %lt3A_49 = arith.constant 125 : i32
    %lt3A_50 = arith.cmpi slt, %add3A_48, %lt3A_49 : i32
    %convert_element_type3A_51 = arith.extui %lt3A_50 : i1 to i32
    %cond3A_52 = arith.constant 0 : i32
    %cond3A_53 = arith.cmpi ne, %convert_element_type3A_51, %cond3A_52 : i32
    scf.if %cond3A_53 {
      %mul3A_124 = arith.constant 80 : i32
      %mul3A_125 = arith.muli %add3A_48, %mul3A_124 : i32
      "tpu.region"() ({
        %run_scoped3A = tpu.sem_alloc : memref<!tpu.dma_semaphore, #tpu.memory_space<semaphore_mem>>
        %dma_start3A = arith.constant 0 : i32
        %dma_start3A_126 = tpu.memref_slice %arg14[%mul3A_125, %dma_start3A] : memref<10000x128xf32, #tpu.memory_space<vmem_shared>> -> memref<80x128xf32, #tpu.memory_space<vmem_shared>>
        %dma_start3A_127 = arith.constant 0 : i32
        %dma_start3A_128 = tpu.memref_slice %arg14[%mul3A_125, %dma_start3A_127] : memref<10000x128xf32, #tpu.memory_space<vmem_shared>> -> memref<80x128xf32, #tpu.memory_space<vmem_shared>>
        tpu.enqueue_dma source(%arg13 : memref<80x128xf32, #tpu.memory_space<vmem>>) target(%dma_start3A_128 : memref<80x128xf32, #tpu.memory_space<vmem_shared>>) target_semaphore(%run_scoped3A : memref<!tpu.dma_semaphore, #tpu.memory_space<semaphore_mem>>)
        %dma_wait3A = arith.constant 0 : i32
        %dma_wait3A_129 = tpu.memref_slice %arg14[%mul3A_125, %dma_wait3A] : memref<10000x128xf32, #tpu.memory_space<vmem_shared>> -> memref<80x128xf32, #tpu.memory_space<vmem_shared>>
        %dma_wait3A_130 = arith.constant 0 : i32
        %dma_wait3A_131 = tpu.memref_slice %arg14[%mul3A_125, %dma_wait3A_130] : memref<10000x128xf32, #tpu.memory_space<vmem_shared>> -> memref<80x128xf32, #tpu.memory_space<vmem_shared>>
        tpu.wait_dma2 semaphore(%run_scoped3A : memref<!tpu.dma_semaphore, #tpu.memory_space<semaphore_mem>>) src(%arg13 : memref<80x128xf32, #tpu.memory_space<vmem>>) dst(%dma_wait3A_131 : memref<80x128xf32, #tpu.memory_space<vmem_shared>>)
        tpu.yield
      }) : () -> ()
    } else {
    }
    %add3A_54 = arith.constant 112 : i32
    %add3A_55 = arith.addi %arg1, %add3A_54 : i32
    %lt3A_56 = arith.constant 125 : i32
    %lt3A_57 = arith.cmpi slt, %add3A_55, %lt3A_56 : i32
    %convert_element_type3A_58 = arith.extui %lt3A_57 : i1 to i32
    %cond3A_59 = arith.constant 0 : i32
    %cond3A_60 = arith.cmpi ne, %convert_element_type3A_58, %cond3A_59 : i32
    scf.if %cond3A_60 {
      %mul3A_124 = arith.constant 80 : i32
      %mul3A_125 = arith.muli %add3A_55, %mul3A_124 : i32
      "tpu.region"() ({
        %run_scoped3A = tpu.sem_alloc : memref<!tpu.dma_semaphore, #tpu.memory_space<semaphore_mem>>
        %dma_start3A = arith.constant 0 : i32
        %dma_start3A_126 = tpu.memref_slice %arg14[%mul3A_125, %dma_start3A] : memref<10000x128xf32, #tpu.memory_space<vmem_shared>> -> memref<80x128xf32, #tpu.memory_space<vmem_shared>>
        %dma_start3A_127 = arith.constant 0 : i32
        %dma_start3A_128 = tpu.memref_slice %arg14[%mul3A_125, %dma_start3A_127] : memref<10000x128xf32, #tpu.memory_space<vmem_shared>> -> memref<80x128xf32, #tpu.memory_space<vmem_shared>>
        tpu.enqueue_dma source(%arg13 : memref<80x128xf32, #tpu.memory_space<vmem>>) target(%dma_start3A_128 : memref<80x128xf32, #tpu.memory_space<vmem_shared>>) target_semaphore(%run_scoped3A : memref<!tpu.dma_semaphore, #tpu.memory_space<semaphore_mem>>)
        %dma_wait3A = arith.constant 0 : i32
        %dma_wait3A_129 = tpu.memref_slice %arg14[%mul3A_125, %dma_wait3A] : memref<10000x128xf32, #tpu.memory_space<vmem_shared>> -> memref<80x128xf32, #tpu.memory_space<vmem_shared>>
        %dma_wait3A_130 = arith.constant 0 : i32
        %dma_wait3A_131 = tpu.memref_slice %arg14[%mul3A_125, %dma_wait3A_130] : memref<10000x128xf32, #tpu.memory_space<vmem_shared>> -> memref<80x128xf32, #tpu.memory_space<vmem_shared>>
        tpu.wait_dma2 semaphore(%run_scoped3A : memref<!tpu.dma_semaphore, #tpu.memory_space<semaphore_mem>>) src(%arg13 : memref<80x128xf32, #tpu.memory_space<vmem>>) dst(%dma_wait3A_131 : memref<80x128xf32, #tpu.memory_space<vmem_shared>>)
        tpu.yield
      }) : () -> ()
    } else {
    }
    %barrier3A = arith.constant 0 : index
    tpu.barrier barrier_id(%barrier3A)
    %scan3A_61 = arith.constant 0 : i32
    %scan3A_62 = arith.constant 0 : i32
    %scan3A_63 = arith.constant 125 : i32
    %scan3A_64 = arith.addi %scan3A_62, %scan3A_63 : i32
    %scan3A_65 = arith.constant 1 : i32
    scf.for %scan3A_124 = %scan3A_62 to %scan3A_64 step %scan3A_65  : i32 {
      %mul3A_125 = arith.constant 80 : i32
      %mul3A_126 = arith.muli %scan3A_124, %mul3A_125 : i32
      %add3A_127 = arith.addi %mul3A_2, %mul3A_126 : i32
      "tpu.region"() ({
        %run_scoped3A = tpu.sem_alloc : memref<!tpu.dma_semaphore, #tpu.memory_space<semaphore_mem>>
        %dma_start3A_138 = tpu.memref_slice %arg3[%add3A_127] : memref<320000xi32, #tpu.memory_space<hbm>> -> memref<80xi32, #tpu.memory_space<hbm>>
        %dma_start3A_139 = tpu.memref_slice %arg3[%add3A_127] : memref<320000xi32, #tpu.memory_space<hbm>> -> memref<80xi32, #tpu.memory_space<hbm>>
        tpu.enqueue_dma source(%dma_start3A_139 : memref<80xi32, #tpu.memory_space<hbm>>) target(%arg8 : memref<80xi32, #tpu.memory_space<vmem>>) target_semaphore(%run_scoped3A : memref<!tpu.dma_semaphore, #tpu.memory_space<semaphore_mem>>)
        %dma_wait3A_140 = tpu.memref_slice %arg3[%add3A_127] : memref<320000xi32, #tpu.memory_space<hbm>> -> memref<80xi32, #tpu.memory_space<hbm>>
        %dma_wait3A_141 = tpu.memref_slice %arg3[%add3A_127] : memref<320000xi32, #tpu.memory_space<hbm>> -> memref<80xi32, #tpu.memory_space<hbm>>
        tpu.wait_dma2 semaphore(%run_scoped3A : memref<!tpu.dma_semaphore, #tpu.memory_space<semaphore_mem>>) src(%dma_wait3A_141 : memref<80xi32, #tpu.memory_space<hbm>>) dst(%arg8 : memref<80xi32, #tpu.memory_space<vmem>>)
        tpu.yield
      }) : () -> ()
      "tpu.region"() ({
        %run_scoped3A = tpu.sem_alloc : memref<!tpu.dma_semaphore, #tpu.memory_space<semaphore_mem>>
        %dma_start3A_138 = tpu.memref_slice %arg4[%add3A_127] : memref<320000xi32, #tpu.memory_space<hbm>> -> memref<80xi32, #tpu.memory_space<hbm>>
        %dma_start3A_139 = tpu.memref_slice %arg4[%add3A_127] : memref<320000xi32, #tpu.memory_space<hbm>> -> memref<80xi32, #tpu.memory_space<hbm>>
        tpu.enqueue_dma source(%dma_start3A_139 : memref<80xi32, #tpu.memory_space<hbm>>) target(%arg9 : memref<80xi32, #tpu.memory_space<vmem>>) target_semaphore(%run_scoped3A : memref<!tpu.dma_semaphore, #tpu.memory_space<semaphore_mem>>)
        %dma_wait3A_140 = tpu.memref_slice %arg4[%add3A_127] : memref<320000xi32, #tpu.memory_space<hbm>> -> memref<80xi32, #tpu.memory_space<hbm>>
        %dma_wait3A_141 = tpu.memref_slice %arg4[%add3A_127] : memref<320000xi32, #tpu.memory_space<hbm>> -> memref<80xi32, #tpu.memory_space<hbm>>
        tpu.wait_dma2 semaphore(%run_scoped3A : memref<!tpu.dma_semaphore, #tpu.memory_space<semaphore_mem>>) src(%dma_wait3A_141 : memref<80xi32, #tpu.memory_space<hbm>>) dst(%arg9 : memref<80xi32, #tpu.memory_space<vmem>>)
        tpu.yield
      }) : () -> ()
      %dma_start3A = arith.constant 0 : i32
      %dma_start3A_128 = arith.constant 0 : i32
      %dma_start3A_129 = tpu.memref_slice %arg2[%dma_start3A, %dma_start3A_128] : memref<10000x128xf32, #tpu.memory_space<hbm>> -> memref<10000x128xf32, #tpu.memory_space<hbm>>
      tpu.enqueue_indirect_dma source(%dma_start3A_129 : memref<10000x128xf32, #tpu.memory_space<hbm>>) target(%arg10 : memref<80x128xf32, #tpu.memory_space<vmem>>) offsets(%arg8 : memref<80xi32, #tpu.memory_space<vmem>>) semaphore(%arg15 : memref<!tpu.dma_semaphore, #tpu.memory_space<semaphore_mem>>)
      "tpu.region"() ({
        %run_scoped3A = tpu.sem_alloc : memref<!tpu.dma_semaphore, #tpu.memory_space<semaphore_mem>>
        %dma_start3A_138 = arith.constant 0 : i32
        %dma_start3A_139 = tpu.memref_slice %arg5[%add3A_127, %dma_start3A_138] : memref<320000x16xf32, #tpu.memory_space<hbm>> -> memref<80x16xf32, #tpu.memory_space<hbm>>
        %dma_start3A_140 = arith.constant 0 : i32
        %dma_start3A_141 = tpu.memref_slice %arg5[%add3A_127, %dma_start3A_140] : memref<320000x16xf32, #tpu.memory_space<hbm>> -> memref<80x16xf32, #tpu.memory_space<hbm>>
        tpu.enqueue_dma source(%dma_start3A_141 : memref<80x16xf32, #tpu.memory_space<hbm>>) target(%arg11 : memref<80x16xf32, #tpu.memory_space<vmem>>) target_semaphore(%run_scoped3A : memref<!tpu.dma_semaphore, #tpu.memory_space<semaphore_mem>>)
        %dma_wait3A_142 = arith.constant 0 : i32
        %dma_wait3A_143 = tpu.memref_slice %arg5[%add3A_127, %dma_wait3A_142] : memref<320000x16xf32, #tpu.memory_space<hbm>> -> memref<80x16xf32, #tpu.memory_space<hbm>>
        %dma_wait3A_144 = arith.constant 0 : i32
        %dma_wait3A_145 = tpu.memref_slice %arg5[%add3A_127, %dma_wait3A_144] : memref<320000x16xf32, #tpu.memory_space<hbm>> -> memref<80x16xf32, #tpu.memory_space<hbm>>
        tpu.wait_dma2 semaphore(%run_scoped3A : memref<!tpu.dma_semaphore, #tpu.memory_space<semaphore_mem>>) src(%dma_wait3A_145 : memref<80x16xf32, #tpu.memory_space<hbm>>) dst(%arg11 : memref<80x16xf32, #tpu.memory_space<vmem>>)
        tpu.yield
      }) : () -> ()
      "tpu.region"() ({
        %run_scoped3A = tpu.sem_alloc : memref<!tpu.dma_semaphore, #tpu.memory_space<semaphore_mem>>
        %dma_start3A_138 = arith.constant 0 : i32
        %dma_start3A_139 = tpu.memref_slice %arg6[%add3A_127, %dma_start3A_138] : memref<320000x16xf32, #tpu.memory_space<hbm>> -> memref<80x16xf32, #tpu.memory_space<hbm>>
        %dma_start3A_140 = arith.constant 0 : i32
        %dma_start3A_141 = tpu.memref_slice %arg6[%add3A_127, %dma_start3A_140] : memref<320000x16xf32, #tpu.memory_space<hbm>> -> memref<80x16xf32, #tpu.memory_space<hbm>>
        tpu.enqueue_dma source(%dma_start3A_141 : memref<80x16xf32, #tpu.memory_space<hbm>>) target(%arg12 : memref<80x16xf32, #tpu.memory_space<vmem>>) target_semaphore(%run_scoped3A : memref<!tpu.dma_semaphore, #tpu.memory_space<semaphore_mem>>)
        %dma_wait3A_142 = arith.constant 0 : i32
        %dma_wait3A_143 = tpu.memref_slice %arg6[%add3A_127, %dma_wait3A_142] : memref<320000x16xf32, #tpu.memory_space<hbm>> -> memref<80x16xf32, #tpu.memory_space<hbm>>
        %dma_wait3A_144 = arith.constant 0 : i32
        %dma_wait3A_145 = tpu.memref_slice %arg6[%add3A_127, %dma_wait3A_144] : memref<320000x16xf32, #tpu.memory_space<hbm>> -> memref<80x16xf32, #tpu.memory_space<hbm>>
        tpu.wait_dma2 semaphore(%run_scoped3A : memref<!tpu.dma_semaphore, #tpu.memory_space<semaphore_mem>>) src(%dma_wait3A_145 : memref<80x16xf32, #tpu.memory_space<hbm>>) dst(%arg12 : memref<80x16xf32, #tpu.memory_space<vmem>>)
        tpu.yield
      }) : () -> ()
      %dma_wait3A = arith.constant 0 : i32
      %dma_wait3A_130 = arith.constant 0 : i32
      %dma_wait3A_131 = tpu.memref_slice %arg2[%dma_wait3A, %dma_wait3A_130] : memref<10000x128xf32, #tpu.memory_space<hbm>> -> memref<10000x128xf32, #tpu.memory_space<hbm>>
      tpu.wait_indirect_dma semaphore(%arg15 : memref<!tpu.dma_semaphore, #tpu.memory_space<semaphore_mem>>) src(%dma_wait3A_131 : memref<10000x128xf32, #tpu.memory_space<hbm>>) dst(%arg10 : memref<80x128xf32, #tpu.memory_space<vmem>>)
      %scan3A_132 = arith.constant 0 : i32
      %scan3A_133 = arith.constant 0 : i32
      %scan3A_134 = arith.constant 80 : i32
      %scan3A_135 = arith.addi %scan3A_133, %scan3A_134 : i32
      %scan3A_136 = arith.constant 1 : i32
      scf.for %scan3A_138 = %scan3A_133 to %scan3A_135 step %scan3A_136  : i32 {
        %get3A = arith.index_cast %scan3A_138 : i32 to index
        %get3A_139 = arith.constant 0 : index
        %get3A_140 = tpu.vector_load %arg11[%get3A, %get3A_139] {strides = array<i32>} : memref<80x16xf32, #tpu.memory_space<vmem>>, vector<1x16xf32>,
        %get3A_141 = vector.shape_cast %get3A_140 : vector<1x16xf32> to vector<16xf32>
        %get3A_142 = arith.index_cast %scan3A_138 : i32 to index
        %get3A_143 = arith.constant 0 : index
        %get3A_144 = tpu.vector_load %arg12[%get3A_142, %get3A_143] {strides = array<i32>} : memref<80x16xf32, #tpu.memory_space<vmem>>, vector<1x16xf32>,
        %get3A_145 = vector.shape_cast %get3A_144 : vector<1x16xf32> to vector<16xf32>
        %get3A_146 = arith.index_cast %scan3A_138 : i32 to index
        %get3A_147 = arith.constant 0 : index
        %get3A_148 = tpu.vector_load %arg10[%get3A_146, %get3A_147] {strides = array<i32>} : memref<80x128xf32, #tpu.memory_space<vmem>>, vector<1x16xf32>,
        %get3A_149 = vector.shape_cast %get3A_148 : vector<1x16xf32> to vector<16xf32>
        %mul3A_150 = arith.mulf %get3A_149, %get3A_141 : vector<16xf32>
        %add3A_151 = arith.addf %mul3A_150, %get3A_145 : vector<16xf32>
        %swap3A = arith.index_cast %scan3A_138 : i32 to index
        %swap3A_152 = arith.constant 0 : index
        %swap3A_153 = tpu.vector_load %arg13[%swap3A, %swap3A_152] {strides = array<i32>} : memref<80x128xf32, #tpu.memory_space<vmem>>, vector<1x16xf32>,
        %swap3A_154 = vector.shape_cast %swap3A_153 : vector<1x16xf32> to vector<16xf32>
        %swap3A_155 = vector.shape_cast %add3A_151 : vector<16xf32> to vector<1x16xf32>
        tpu.vector_store %arg13[%swap3A, %swap3A_152], %swap3A_155 {strides = array<i32>} : memref<80x128xf32, #tpu.memory_space<vmem>>, vector<1x16xf32>,
        %get3A_156 = arith.index_cast %scan3A_138 : i32 to index
        %get3A_157 = arith.constant 16 : index
        %get3A_158 = tpu.vector_load %arg10[%get3A_156, %get3A_157] {strides = array<i32>} : memref<80x128xf32, #tpu.memory_space<vmem>>, vector<1x16xf32>,
        %get3A_159 = vector.shape_cast %get3A_158 : vector<1x16xf32> to vector<16xf32>
        %mul3A_160 = arith.mulf %get3A_159, %get3A_141 : vector<16xf32>
        %add3A_161 = arith.addf %mul3A_160, %get3A_145 : vector<16xf32>
        %swap3A_162 = arith.index_cast %scan3A_138 : i32 to index
        %swap3A_163 = arith.constant 16 : index
        %swap3A_164 = tpu.vector_load %arg13[%swap3A_162, %swap3A_163] {strides = array<i32>} : memref<80x128xf32, #tpu.memory_space<vmem>>, vector<1x16xf32>,
        %swap3A_165 = vector.shape_cast %swap3A_164 : vector<1x16xf32> to vector<16xf32>
        %swap3A_166 = vector.shape_cast %add3A_161 : vector<16xf32> to vector<1x16xf32>
        tpu.vector_store %arg13[%swap3A_162, %swap3A_163], %swap3A_166 {strides = array<i32>} : memref<80x128xf32, #tpu.memory_space<vmem>>, vector<1x16xf32>,
        %get3A_167 = arith.index_cast %scan3A_138 : i32 to index
        %get3A_168 = arith.constant 32 : index
        %get3A_169 = tpu.vector_load %arg10[%get3A_167, %get3A_168] {strides = array<i32>} : memref<80x128xf32, #tpu.memory_space<vmem>>, vector<1x16xf32>,
        %get3A_170 = vector.shape_cast %get3A_169 : vector<1x16xf32> to vector<16xf32>
        %mul3A_171 = arith.mulf %get3A_170, %get3A_141 : vector<16xf32>
        %add3A_172 = arith.addf %mul3A_171, %get3A_145 : vector<16xf32>
        %swap3A_173 = arith.index_cast %scan3A_138 : i32 to index
        %swap3A_174 = arith.constant 32 : index
        %swap3A_175 = tpu.vector_load %arg13[%swap3A_173, %swap3A_174] {strides = array<i32>} : memref<80x128xf32, #tpu.memory_space<vmem>>, vector<1x16xf32>,
        %swap3A_176 = vector.shape_cast %swap3A_175 : vector<1x16xf32> to vector<16xf32>
        %swap3A_177 = vector.shape_cast %add3A_172 : vector<16xf32> to vector<1x16xf32>
        tpu.vector_store %arg13[%swap3A_173, %swap3A_174], %swap3A_177 {strides = array<i32>} : memref<80x128xf32, #tpu.memory_space<vmem>>, vector<1x16xf32>,
        %get3A_178 = arith.index_cast %scan3A_138 : i32 to index
        %get3A_179 = arith.constant 48 : index
        %get3A_180 = tpu.vector_load %arg10[%get3A_178, %get3A_179] {strides = array<i32>} : memref<80x128xf32, #tpu.memory_space<vmem>>, vector<1x16xf32>,
        %get3A_181 = vector.shape_cast %get3A_180 : vector<1x16xf32> to vector<16xf32>
        %mul3A_182 = arith.mulf %get3A_181, %get3A_141 : vector<16xf32>
        %add3A_183 = arith.addf %mul3A_182, %get3A_145 : vector<16xf32>
        %swap3A_184 = arith.index_cast %scan3A_138 : i32 to index
        %swap3A_185 = arith.constant 48 : index
        %swap3A_186 = tpu.vector_load %arg13[%swap3A_184, %swap3A_185] {strides = array<i32>} : memref<80x128xf32, #tpu.memory_space<vmem>>, vector<1x16xf32>,
        %swap3A_187 = vector.shape_cast %swap3A_186 : vector<1x16xf32> to vector<16xf32>
        %swap3A_188 = vector.shape_cast %add3A_183 : vector<16xf32> to vector<1x16xf32>
        tpu.vector_store %arg13[%swap3A_184, %swap3A_185], %swap3A_188 {strides = array<i32>} : memref<80x128xf32, #tpu.memory_space<vmem>>, vector<1x16xf32>,
        %get3A_189 = arith.index_cast %scan3A_138 : i32 to index
        %get3A_190 = arith.constant 64 : index
        %get3A_191 = tpu.vector_load %arg10[%get3A_189, %get3A_190] {strides = array<i32>} : memref<80x128xf32, #tpu.memory_space<vmem>>, vector<1x16xf32>,
        %get3A_192 = vector.shape_cast %get3A_191 : vector<1x16xf32> to vector<16xf32>
        %mul3A_193 = arith.mulf %get3A_192, %get3A_141 : vector<16xf32>
        %add3A_194 = arith.addf %mul3A_193, %get3A_145 : vector<16xf32>
        %swap3A_195 = arith.index_cast %scan3A_138 : i32 to index
        %swap3A_196 = arith.constant 64 : index
        %swap3A_197 = tpu.vector_load %arg13[%swap3A_195, %swap3A_196] {strides = array<i32>} : memref<80x128xf32, #tpu.memory_space<vmem>>, vector<1x16xf32>,
        %swap3A_198 = vector.shape_cast %swap3A_197 : vector<1x16xf32> to vector<16xf32>
        %swap3A_199 = vector.shape_cast %add3A_194 : vector<16xf32> to vector<1x16xf32>
        tpu.vector_store %arg13[%swap3A_195, %swap3A_196], %swap3A_199 {strides = array<i32>} : memref<80x128xf32, #tpu.memory_space<vmem>>, vector<1x16xf32>,
        %get3A_200 = arith.index_cast %scan3A_138 : i32 to index
        %get3A_201 = arith.constant 80 : index
        %get3A_202 = tpu.vector_load %arg10[%get3A_200, %get3A_201] {strides = array<i32>} : memref<80x128xf32, #tpu.memory_space<vmem>>, vector<1x16xf32>,
        %get3A_203 = vector.shape_cast %get3A_202 : vector<1x16xf32> to vector<16xf32>
        %mul3A_204 = arith.mulf %get3A_203, %get3A_141 : vector<16xf32>
        %add3A_205 = arith.addf %mul3A_204, %get3A_145 : vector<16xf32>
        %swap3A_206 = arith.index_cast %scan3A_138 : i32 to index
        %swap3A_207 = arith.constant 80 : index
        %swap3A_208 = tpu.vector_load %arg13[%swap3A_206, %swap3A_207] {strides = array<i32>} : memref<80x128xf32, #tpu.memory_space<vmem>>, vector<1x16xf32>,
        %swap3A_209 = vector.shape_cast %swap3A_208 : vector<1x16xf32> to vector<16xf32>
        %swap3A_210 = vector.shape_cast %add3A_205 : vector<16xf32> to vector<1x16xf32>
        tpu.vector_store %arg13[%swap3A_206, %swap3A_207], %swap3A_210 {strides = array<i32>} : memref<80x128xf32, #tpu.memory_space<vmem>>, vector<1x16xf32>,
        %get3A_211 = arith.index_cast %scan3A_138 : i32 to index
        %get3A_212 = arith.constant 96 : index
        %get3A_213 = tpu.vector_load %arg10[%get3A_211, %get3A_212] {strides = array<i32>} : memref<80x128xf32, #tpu.memory_space<vmem>>, vector<1x16xf32>,
        %get3A_214 = vector.shape_cast %get3A_213 : vector<1x16xf32> to vector<16xf32>
        %mul3A_215 = arith.mulf %get3A_214, %get3A_141 : vector<16xf32>
        %add3A_216 = arith.addf %mul3A_215, %get3A_145 : vector<16xf32>
        %swap3A_217 = arith.index_cast %scan3A_138 : i32 to index
        %swap3A_218 = arith.constant 96 : index
        %swap3A_219 = tpu.vector_load %arg13[%swap3A_217, %swap3A_218] {strides = array<i32>} : memref<80x128xf32, #tpu.memory_space<vmem>>, vector<1x16xf32>,
        %swap3A_220 = vector.shape_cast %swap3A_219 : vector<1x16xf32> to vector<16xf32>
        %swap3A_221 = vector.shape_cast %add3A_216 : vector<16xf32> to vector<1x16xf32>
        tpu.vector_store %arg13[%swap3A_217, %swap3A_218], %swap3A_221 {strides = array<i32>} : memref<80x128xf32, #tpu.memory_space<vmem>>, vector<1x16xf32>,
        %get3A_222 = arith.index_cast %scan3A_138 : i32 to index
        %get3A_223 = arith.constant 112 : index
        %get3A_224 = tpu.vector_load %arg10[%get3A_222, %get3A_223] {strides = array<i32>} : memref<80x128xf32, #tpu.memory_space<vmem>>, vector<1x16xf32>,
        %get3A_225 = vector.shape_cast %get3A_224 : vector<1x16xf32> to vector<16xf32>
        %mul3A_226 = arith.mulf %get3A_225, %get3A_141 : vector<16xf32>
        %add3A_227 = arith.addf %mul3A_226, %get3A_145 : vector<16xf32>
        %swap3A_228 = arith.index_cast %scan3A_138 : i32 to index
        %swap3A_229 = arith.constant 112 : index
        %swap3A_230 = tpu.vector_load %arg13[%swap3A_228, %swap3A_229] {strides = array<i32>} : memref<80x128xf32, #tpu.memory_space<vmem>>, vector<1x16xf32>,
        %swap3A_231 = vector.shape_cast %swap3A_230 : vector<1x16xf32> to vector<16xf32>
        %swap3A_232 = vector.shape_cast %add3A_227 : vector<16xf32> to vector<1x16xf32>
        tpu.vector_store %arg13[%swap3A_228, %swap3A_229], %swap3A_232 {strides = array<i32>} : memref<80x128xf32, #tpu.memory_space<vmem>>, vector<1x16xf32>,
      }
      %scan3A_137 = arith.constant 80 : i32
      "tpu.region"() ({
        %run_scoped3A = tpu.sem_alloc : memref<!tpu.dma_semaphore, #tpu.memory_space<semaphore_mem>>
        %dma_start3A_138 = arith.constant 0 : i32
        %dma_start3A_139 = arith.constant 0 : i32
        %dma_start3A_140 = tpu.memref_slice %arg14[%dma_start3A_138, %dma_start3A_139] : memref<10000x128xf32, #tpu.memory_space<vmem_shared>> -> memref<10000x128xf32, #tpu.memory_space<vmem_shared>>
        tpu.enqueue_indirect_dma source(%arg13 : memref<80x128xf32, #tpu.memory_space<vmem>>) target(%dma_start3A_140 : memref<10000x128xf32, #tpu.memory_space<vmem_shared>>) offsets(%arg9 : memref<80xi32, #tpu.memory_space<vmem>>) semaphore(%run_scoped3A : memref<!tpu.dma_semaphore, #tpu.memory_space<semaphore_mem>>) {add = true}
        %dma_wait3A_141 = arith.constant 0 : i32
        %dma_wait3A_142 = arith.constant 0 : i32
        %dma_wait3A_143 = tpu.memref_slice %arg14[%dma_wait3A_141, %dma_wait3A_142] : memref<10000x128xf32, #tpu.memory_space<vmem_shared>> -> memref<10000x128xf32, #tpu.memory_space<vmem_shared>>
        tpu.wait_indirect_dma semaphore(%run_scoped3A : memref<!tpu.dma_semaphore, #tpu.memory_space<semaphore_mem>>) src(%arg13 : memref<80x128xf32, #tpu.memory_space<vmem>>) dst(%dma_wait3A_143 : memref<10000x128xf32, #tpu.memory_space<vmem_shared>>)
        tpu.yield
      }) : () -> ()
    }
    %scan3A_66 = arith.constant 125 : i32
    %barrier3A_67 = arith.constant 0 : index
    tpu.barrier barrier_id(%barrier3A_67)
    %add3A_68 = arith.constant 0 : i32
    %add3A_69 = arith.addi %arg1, %add3A_68 : i32
    %lt3A_70 = arith.constant 125 : i32
    %lt3A_71 = arith.cmpi slt, %add3A_69, %lt3A_70 : i32
    %convert_element_type3A_72 = arith.extui %lt3A_71 : i1 to i32
    %cond3A_73 = arith.constant 0 : i32
    %cond3A_74 = arith.cmpi ne, %convert_element_type3A_72, %cond3A_73 : i32
    scf.if %cond3A_74 {
      %mul3A_124 = arith.constant 80 : i32
      %mul3A_125 = arith.muli %add3A_69, %mul3A_124 : i32
      "tpu.region"() ({
        %run_scoped3A = tpu.sem_alloc : memref<!tpu.dma_semaphore, #tpu.memory_space<semaphore_mem>>
        %dma_start3A = arith.constant 0 : i32
        %dma_start3A_126 = tpu.memref_slice %arg7[%arg0, %mul3A_125, %dma_start3A] : memref<2x10000x128xf32, #tpu.memory_space<hbm>> -> memref<1x80x128xf32, #tpu.memory_space<hbm>>
        %dma_start3A_127 = tpu.memref_squeeze %dma_start3A_126 : memref<1x80x128xf32, #tpu.memory_space<hbm>> -> memref<80x128xf32, #tpu.memory_space<hbm>>
        %dma_start3A_128 = arith.constant 0 : i32
        %dma_start3A_129 = tpu.memref_slice %arg14[%mul3A_125, %dma_start3A_128] : memref<10000x128xf32, #tpu.memory_space<vmem_shared>> -> memref<80x128xf32, #tpu.memory_space<vmem_shared>>
        tpu.enqueue_dma source(%dma_start3A_129 : memref<80x128xf32, #tpu.memory_space<vmem_shared>>) target(%dma_start3A_127 : memref<80x128xf32, #tpu.memory_space<hbm>>) target_semaphore(%run_scoped3A : memref<!tpu.dma_semaphore, #tpu.memory_space<semaphore_mem>>)
        %dma_wait3A = arith.constant 0 : i32
        %dma_wait3A_130 = tpu.memref_slice %arg7[%arg0, %mul3A_125, %dma_wait3A] : memref<2x10000x128xf32, #tpu.memory_space<hbm>> -> memref<1x80x128xf32, #tpu.memory_space<hbm>>
        %dma_wait3A_131 = tpu.memref_squeeze %dma_wait3A_130 : memref<1x80x128xf32, #tpu.memory_space<hbm>> -> memref<80x128xf32, #tpu.memory_space<hbm>>
        %dma_wait3A_132 = arith.constant 0 : i32
        %dma_wait3A_133 = tpu.memref_slice %arg14[%mul3A_125, %dma_wait3A_132] : memref<10000x128xf32, #tpu.memory_space<vmem_shared>> -> memref<80x128xf32, #tpu.memory_space<vmem_shared>>
        tpu.wait_dma2 semaphore(%run_scoped3A : memref<!tpu.dma_semaphore, #tpu.memory_space<semaphore_mem>>) src(%dma_wait3A_133 : memref<80x128xf32, #tpu.memory_space<vmem_shared>>) dst(%dma_wait3A_131 : memref<80x128xf32, #tpu.memory_space<hbm>>)
        tpu.yield
      }) : () -> ()
    } else {
    }
    %add3A_75 = arith.constant 16 : i32
    %add3A_76 = arith.addi %arg1, %add3A_75 : i32
    %lt3A_77 = arith.constant 125 : i32
    %lt3A_78 = arith.cmpi slt, %add3A_76, %lt3A_77 : i32
    %convert_element_type3A_79 = arith.extui %lt3A_78 : i1 to i32
    %cond3A_80 = arith.constant 0 : i32
    %cond3A_81 = arith.cmpi ne, %convert_element_type3A_79, %cond3A_80 : i32
    scf.if %cond3A_81 {
      %mul3A_124 = arith.constant 80 : i32
      %mul3A_125 = arith.muli %add3A_76, %mul3A_124 : i32
      "tpu.region"() ({
        %run_scoped3A = tpu.sem_alloc : memref<!tpu.dma_semaphore, #tpu.memory_space<semaphore_mem>>
        %dma_start3A = arith.constant 0 : i32
        %dma_start3A_126 = tpu.memref_slice %arg7[%arg0, %mul3A_125, %dma_start3A] : memref<2x10000x128xf32, #tpu.memory_space<hbm>> -> memref<1x80x128xf32, #tpu.memory_space<hbm>>
        %dma_start3A_127 = tpu.memref_squeeze %dma_start3A_126 : memref<1x80x128xf32, #tpu.memory_space<hbm>> -> memref<80x128xf32, #tpu.memory_space<hbm>>
        %dma_start3A_128 = arith.constant 0 : i32
        %dma_start3A_129 = tpu.memref_slice %arg14[%mul3A_125, %dma_start3A_128] : memref<10000x128xf32, #tpu.memory_space<vmem_shared>> -> memref<80x128xf32, #tpu.memory_space<vmem_shared>>
        tpu.enqueue_dma source(%dma_start3A_129 : memref<80x128xf32, #tpu.memory_space<vmem_shared>>) target(%dma_start3A_127 : memref<80x128xf32, #tpu.memory_space<hbm>>) target_semaphore(%run_scoped3A : memref<!tpu.dma_semaphore, #tpu.memory_space<semaphore_mem>>)
        %dma_wait3A = arith.constant 0 : i32
        %dma_wait3A_130 = tpu.memref_slice %arg7[%arg0, %mul3A_125, %dma_wait3A] : memref<2x10000x128xf32, #tpu.memory_space<hbm>> -> memref<1x80x128xf32, #tpu.memory_space<hbm>>
        %dma_wait3A_131 = tpu.memref_squeeze %dma_wait3A_130 : memref<1x80x128xf32, #tpu.memory_space<hbm>> -> memref<80x128xf32, #tpu.memory_space<hbm>>
        %dma_wait3A_132 = arith.constant 0 : i32
        %dma_wait3A_133 = tpu.memref_slice %arg14[%mul3A_125, %dma_wait3A_132] : memref<10000x128xf32, #tpu.memory_space<vmem_shared>> -> memref<80x128xf32, #tpu.memory_space<vmem_shared>>
        tpu.wait_dma2 semaphore(%run_scoped3A : memref<!tpu.dma_semaphore, #tpu.memory_space<semaphore_mem>>) src(%dma_wait3A_133 : memref<80x128xf32, #tpu.memory_space<vmem_shared>>) dst(%dma_wait3A_131 : memref<80x128xf32, #tpu.memory_space<hbm>>)
        tpu.yield
      }) : () -> ()
    } else {
    }
    %add3A_82 = arith.constant 32 : i32
    %add3A_83 = arith.addi %arg1, %add3A_82 : i32
    %lt3A_84 = arith.constant 125 : i32
    %lt3A_85 = arith.cmpi slt, %add3A_83, %lt3A_84 : i32
    %convert_element_type3A_86 = arith.extui %lt3A_85 : i1 to i32
    %cond3A_87 = arith.constant 0 : i32
    %cond3A_88 = arith.cmpi ne, %convert_element_type3A_86, %cond3A_87 : i32
    scf.if %cond3A_88 {
      %mul3A_124 = arith.constant 80 : i32
      %mul3A_125 = arith.muli %add3A_83, %mul3A_124 : i32
      "tpu.region"() ({
        %run_scoped3A = tpu.sem_alloc : memref<!tpu.dma_semaphore, #tpu.memory_space<semaphore_mem>>
        %dma_start3A = arith.constant 0 : i32
        %dma_start3A_126 = tpu.memref_slice %arg7[%arg0, %mul3A_125, %dma_start3A] : memref<2x10000x128xf32, #tpu.memory_space<hbm>> -> memref<1x80x128xf32, #tpu.memory_space<hbm>>
        %dma_start3A_127 = tpu.memref_squeeze %dma_start3A_126 : memref<1x80x128xf32, #tpu.memory_space<hbm>> -> memref<80x128xf32, #tpu.memory_space<hbm>>
        %dma_start3A_128 = arith.constant 0 : i32
        %dma_start3A_129 = tpu.memref_slice %arg14[%mul3A_125, %dma_start3A_128] : memref<10000x128xf32, #tpu.memory_space<vmem_shared>> -> memref<80x128xf32, #tpu.memory_space<vmem_shared>>
        tpu.enqueue_dma source(%dma_start3A_129 : memref<80x128xf32, #tpu.memory_space<vmem_shared>>) target(%dma_start3A_127 : memref<80x128xf32, #tpu.memory_space<hbm>>) target_semaphore(%run_scoped3A : memref<!tpu.dma_semaphore, #tpu.memory_space<semaphore_mem>>)
        %dma_wait3A = arith.constant 0 : i32
        %dma_wait3A_130 = tpu.memref_slice %arg7[%arg0, %mul3A_125, %dma_wait3A] : memref<2x10000x128xf32, #tpu.memory_space<hbm>> -> memref<1x80x128xf32, #tpu.memory_space<hbm>>
        %dma_wait3A_131 = tpu.memref_squeeze %dma_wait3A_130 : memref<1x80x128xf32, #tpu.memory_space<hbm>> -> memref<80x128xf32, #tpu.memory_space<hbm>>
        %dma_wait3A_132 = arith.constant 0 : i32
        %dma_wait3A_133 = tpu.memref_slice %arg14[%mul3A_125, %dma_wait3A_132] : memref<10000x128xf32, #tpu.memory_space<vmem_shared>> -> memref<80x128xf32, #tpu.memory_space<vmem_shared>>
        tpu.wait_dma2 semaphore(%run_scoped3A : memref<!tpu.dma_semaphore, #tpu.memory_space<semaphore_mem>>) src(%dma_wait3A_133 : memref<80x128xf32, #tpu.memory_space<vmem_shared>>) dst(%dma_wait3A_131 : memref<80x128xf32, #tpu.memory_space<hbm>>)
        tpu.yield
      }) : () -> ()
    } else {
    }
    %add3A_89 = arith.constant 48 : i32
    %add3A_90 = arith.addi %arg1, %add3A_89 : i32
    %lt3A_91 = arith.constant 125 : i32
    %lt3A_92 = arith.cmpi slt, %add3A_90, %lt3A_91 : i32
    %convert_element_type3A_93 = arith.extui %lt3A_92 : i1 to i32
    %cond3A_94 = arith.constant 0 : i32
    %cond3A_95 = arith.cmpi ne, %convert_element_type3A_93, %cond3A_94 : i32
    scf.if %cond3A_95 {
      %mul3A_124 = arith.constant 80 : i32
      %mul3A_125 = arith.muli %add3A_90, %mul3A_124 : i32
      "tpu.region"() ({
        %run_scoped3A = tpu.sem_alloc : memref<!tpu.dma_semaphore, #tpu.memory_space<semaphore_mem>>
        %dma_start3A = arith.constant 0 : i32
        %dma_start3A_126 = tpu.memref_slice %arg7[%arg0, %mul3A_125, %dma_start3A] : memref<2x10000x128xf32, #tpu.memory_space<hbm>> -> memref<1x80x128xf32, #tpu.memory_space<hbm>>
        %dma_start3A_127 = tpu.memref_squeeze %dma_start3A_126 : memref<1x80x128xf32, #tpu.memory_space<hbm>> -> memref<80x128xf32, #tpu.memory_space<hbm>>
        %dma_start3A_128 = arith.constant 0 : i32
        %dma_start3A_129 = tpu.memref_slice %arg14[%mul3A_125, %dma_start3A_128] : memref<10000x128xf32, #tpu.memory_space<vmem_shared>> -> memref<80x128xf32, #tpu.memory_space<vmem_shared>>
        tpu.enqueue_dma source(%dma_start3A_129 : memref<80x128xf32, #tpu.memory_space<vmem_shared>>) target(%dma_start3A_127 : memref<80x128xf32, #tpu.memory_space<hbm>>) target_semaphore(%run_scoped3A : memref<!tpu.dma_semaphore, #tpu.memory_space<semaphore_mem>>)
        %dma_wait3A = arith.constant 0 : i32
        %dma_wait3A_130 = tpu.memref_slice %arg7[%arg0, %mul3A_125, %dma_wait3A] : memref<2x10000x128xf32, #tpu.memory_space<hbm>> -> memref<1x80x128xf32, #tpu.memory_space<hbm>>
        %dma_wait3A_131 = tpu.memref_squeeze %dma_wait3A_130 : memref<1x80x128xf32, #tpu.memory_space<hbm>> -> memref<80x128xf32, #tpu.memory_space<hbm>>
        %dma_wait3A_132 = arith.constant 0 : i32
        %dma_wait3A_133 = tpu.memref_slice %arg14[%mul3A_125, %dma_wait3A_132] : memref<10000x128xf32, #tpu.memory_space<vmem_shared>> -> memref<80x128xf32, #tpu.memory_space<vmem_shared>>
        tpu.wait_dma2 semaphore(%run_scoped3A : memref<!tpu.dma_semaphore, #tpu.memory_space<semaphore_mem>>) src(%dma_wait3A_133 : memref<80x128xf32, #tpu.memory_space<vmem_shared>>) dst(%dma_wait3A_131 : memref<80x128xf32, #tpu.memory_space<hbm>>)
        tpu.yield
      }) : () -> ()
    } else {
    }
    %add3A_96 = arith.constant 64 : i32
    %add3A_97 = arith.addi %arg1, %add3A_96 : i32
    %lt3A_98 = arith.constant 125 : i32
    %lt3A_99 = arith.cmpi slt, %add3A_97, %lt3A_98 : i32
    %convert_element_type3A_100 = arith.extui %lt3A_99 : i1 to i32
    %cond3A_101 = arith.constant 0 : i32
    %cond3A_102 = arith.cmpi ne, %convert_element_type3A_100, %cond3A_101 : i32
    scf.if %cond3A_102 {
      %mul3A_124 = arith.constant 80 : i32
      %mul3A_125 = arith.muli %add3A_97, %mul3A_124 : i32
      "tpu.region"() ({
        %run_scoped3A = tpu.sem_alloc : memref<!tpu.dma_semaphore, #tpu.memory_space<semaphore_mem>>
        %dma_start3A = arith.constant 0 : i32
        %dma_start3A_126 = tpu.memref_slice %arg7[%arg0, %mul3A_125, %dma_start3A] : memref<2x10000x128xf32, #tpu.memory_space<hbm>> -> memref<1x80x128xf32, #tpu.memory_space<hbm>>
        %dma_start3A_127 = tpu.memref_squeeze %dma_start3A_126 : memref<1x80x128xf32, #tpu.memory_space<hbm>> -> memref<80x128xf32, #tpu.memory_space<hbm>>
        %dma_start3A_128 = arith.constant 0 : i32
        %dma_start3A_129 = tpu.memref_slice %arg14[%mul3A_125, %dma_start3A_128] : memref<10000x128xf32, #tpu.memory_space<vmem_shared>> -> memref<80x128xf32, #tpu.memory_space<vmem_shared>>
        tpu.enqueue_dma source(%dma_start3A_129 : memref<80x128xf32, #tpu.memory_space<vmem_shared>>) target(%dma_start3A_127 : memref<80x128xf32, #tpu.memory_space<hbm>>) target_semaphore(%run_scoped3A : memref<!tpu.dma_semaphore, #tpu.memory_space<semaphore_mem>>)
        %dma_wait3A = arith.constant 0 : i32
        %dma_wait3A_130 = tpu.memref_slice %arg7[%arg0, %mul3A_125, %dma_wait3A] : memref<2x10000x128xf32, #tpu.memory_space<hbm>> -> memref<1x80x128xf32, #tpu.memory_space<hbm>>
        %dma_wait3A_131 = tpu.memref_squeeze %dma_wait3A_130 : memref<1x80x128xf32, #tpu.memory_space<hbm>> -> memref<80x128xf32, #tpu.memory_space<hbm>>
        %dma_wait3A_132 = arith.constant 0 : i32
        %dma_wait3A_133 = tpu.memref_slice %arg14[%mul3A_125, %dma_wait3A_132] : memref<10000x128xf32, #tpu.memory_space<vmem_shared>> -> memref<80x128xf32, #tpu.memory_space<vmem_shared>>
        tpu.wait_dma2 semaphore(%run_scoped3A : memref<!tpu.dma_semaphore, #tpu.memory_space<semaphore_mem>>) src(%dma_wait3A_133 : memref<80x128xf32, #tpu.memory_space<vmem_shared>>) dst(%dma_wait3A_131 : memref<80x128xf32, #tpu.memory_space<hbm>>)
        tpu.yield
      }) : () -> ()
    } else {
    }
    %add3A_103 = arith.constant 80 : i32
    %add3A_104 = arith.addi %arg1, %add3A_103 : i32
    %lt3A_105 = arith.constant 125 : i32
    %lt3A_106 = arith.cmpi slt, %add3A_104, %lt3A_105 : i32
    %convert_element_type3A_107 = arith.extui %lt3A_106 : i1 to i32
    %cond3A_108 = arith.constant 0 : i32
    %cond3A_109 = arith.cmpi ne, %convert_element_type3A_107, %cond3A_108 : i32
    scf.if %cond3A_109 {
      %mul3A_124 = arith.constant 80 : i32
      %mul3A_125 = arith.muli %add3A_104, %mul3A_124 : i32
      "tpu.region"() ({
        %run_scoped3A = tpu.sem_alloc : memref<!tpu.dma_semaphore, #tpu.memory_space<semaphore_mem>>
        %dma_start3A = arith.constant 0 : i32
        %dma_start3A_126 = tpu.memref_slice %arg7[%arg0, %mul3A_125, %dma_start3A] : memref<2x10000x128xf32, #tpu.memory_space<hbm>> -> memref<1x80x128xf32, #tpu.memory_space<hbm>>
        %dma_start3A_127 = tpu.memref_squeeze %dma_start3A_126 : memref<1x80x128xf32, #tpu.memory_space<hbm>> -> memref<80x128xf32, #tpu.memory_space<hbm>>
        %dma_start3A_128 = arith.constant 0 : i32
        %dma_start3A_129 = tpu.memref_slice %arg14[%mul3A_125, %dma_start3A_128] : memref<10000x128xf32, #tpu.memory_space<vmem_shared>> -> memref<80x128xf32, #tpu.memory_space<vmem_shared>>
        tpu.enqueue_dma source(%dma_start3A_129 : memref<80x128xf32, #tpu.memory_space<vmem_shared>>) target(%dma_start3A_127 : memref<80x128xf32, #tpu.memory_space<hbm>>) target_semaphore(%run_scoped3A : memref<!tpu.dma_semaphore, #tpu.memory_space<semaphore_mem>>)
        %dma_wait3A = arith.constant 0 : i32
        %dma_wait3A_130 = tpu.memref_slice %arg7[%arg0, %mul3A_125, %dma_wait3A] : memref<2x10000x128xf32, #tpu.memory_space<hbm>> -> memref<1x80x128xf32, #tpu.memory_space<hbm>>
        %dma_wait3A_131 = tpu.memref_squeeze %dma_wait3A_130 : memref<1x80x128xf32, #tpu.memory_space<hbm>> -> memref<80x128xf32, #tpu.memory_space<hbm>>
        %dma_wait3A_132 = arith.constant 0 : i32
        %dma_wait3A_133 = tpu.memref_slice %arg14[%mul3A_125, %dma_wait3A_132] : memref<10000x128xf32, #tpu.memory_space<vmem_shared>> -> memref<80x128xf32, #tpu.memory_space<vmem_shared>>
        tpu.wait_dma2 semaphore(%run_scoped3A : memref<!tpu.dma_semaphore, #tpu.memory_space<semaphore_mem>>) src(%dma_wait3A_133 : memref<80x128xf32, #tpu.memory_space<vmem_shared>>) dst(%dma_wait3A_131 : memref<80x128xf32, #tpu.memory_space<hbm>>)
        tpu.yield
      }) : () -> ()
    } else {
    }
    %add3A_110 = arith.constant 96 : i32
    %add3A_111 = arith.addi %arg1, %add3A_110 : i32
    %lt3A_112 = arith.constant 125 : i32
    %lt3A_113 = arith.cmpi slt, %add3A_111, %lt3A_112 : i32
    %convert_element_type3A_114 = arith.extui %lt3A_113 : i1 to i32
    %cond3A_115 = arith.constant 0 : i32
    %cond3A_116 = arith.cmpi ne, %convert_element_type3A_114, %cond3A_115 : i32
    scf.if %cond3A_116 {
      %mul3A_124 = arith.constant 80 : i32
      %mul3A_125 = arith.muli %add3A_111, %mul3A_124 : i32
      "tpu.region"() ({
        %run_scoped3A = tpu.sem_alloc : memref<!tpu.dma_semaphore, #tpu.memory_space<semaphore_mem>>
        %dma_start3A = arith.constant 0 : i32
        %dma_start3A_126 = tpu.memref_slice %arg7[%arg0, %mul3A_125, %dma_start3A] : memref<2x10000x128xf32, #tpu.memory_space<hbm>> -> memref<1x80x128xf32, #tpu.memory_space<hbm>>
        %dma_start3A_127 = tpu.memref_squeeze %dma_start3A_126 : memref<1x80x128xf32, #tpu.memory_space<hbm>> -> memref<80x128xf32, #tpu.memory_space<hbm>>
        %dma_start3A_128 = arith.constant 0 : i32
        %dma_start3A_129 = tpu.memref_slice %arg14[%mul3A_125, %dma_start3A_128] : memref<10000x128xf32, #tpu.memory_space<vmem_shared>> -> memref<80x128xf32, #tpu.memory_space<vmem_shared>>
        tpu.enqueue_dma source(%dma_start3A_129 : memref<80x128xf32, #tpu.memory_space<vmem_shared>>) target(%dma_start3A_127 : memref<80x128xf32, #tpu.memory_space<hbm>>) target_semaphore(%run_scoped3A : memref<!tpu.dma_semaphore, #tpu.memory_space<semaphore_mem>>)
        %dma_wait3A = arith.constant 0 : i32
        %dma_wait3A_130 = tpu.memref_slice %arg7[%arg0, %mul3A_125, %dma_wait3A] : memref<2x10000x128xf32, #tpu.memory_space<hbm>> -> memref<1x80x128xf32, #tpu.memory_space<hbm>>
        %dma_wait3A_131 = tpu.memref_squeeze %dma_wait3A_130 : memref<1x80x128xf32, #tpu.memory_space<hbm>> -> memref<80x128xf32, #tpu.memory_space<hbm>>
        %dma_wait3A_132 = arith.constant 0 : i32
        %dma_wait3A_133 = tpu.memref_slice %arg14[%mul3A_125, %dma_wait3A_132] : memref<10000x128xf32, #tpu.memory_space<vmem_shared>> -> memref<80x128xf32, #tpu.memory_space<vmem_shared>>
        tpu.wait_dma2 semaphore(%run_scoped3A : memref<!tpu.dma_semaphore, #tpu.memory_space<semaphore_mem>>) src(%dma_wait3A_133 : memref<80x128xf32, #tpu.memory_space<vmem_shared>>) dst(%dma_wait3A_131 : memref<80x128xf32, #tpu.memory_space<hbm>>)
        tpu.yield
      }) : () -> ()
    } else {
    }
    %add3A_117 = arith.constant 112 : i32
    %add3A_118 = arith.addi %arg1, %add3A_117 : i32
    %lt3A_119 = arith.constant 125 : i32
    %lt3A_120 = arith.cmpi slt, %add3A_118, %lt3A_119 : i32
    %convert_element_type3A_121 = arith.extui %lt3A_120 : i1 to i32
    %cond3A_122 = arith.constant 0 : i32
    %cond3A_123 = arith.cmpi ne, %convert_element_type3A_121, %cond3A_122 : i32
    scf.if %cond3A_123 {
      %mul3A_124 = arith.constant 80 : i32
      %mul3A_125 = arith.muli %add3A_118, %mul3A_124 : i32
      "tpu.region"() ({
        %run_scoped3A = tpu.sem_alloc : memref<!tpu.dma_semaphore, #tpu.memory_space<semaphore_mem>>
        %dma_start3A = arith.constant 0 : i32
        %dma_start3A_126 = tpu.memref_slice %arg7[%arg0, %mul3A_125, %dma_start3A] : memref<2x10000x128xf32, #tpu.memory_space<hbm>> -> memref<1x80x128xf32, #tpu.memory_space<hbm>>
        %dma_start3A_127 = tpu.memref_squeeze %dma_start3A_126 : memref<1x80x128xf32, #tpu.memory_space<hbm>> -> memref<80x128xf32, #tpu.memory_space<hbm>>
        %dma_start3A_128 = arith.constant 0 : i32
        %dma_start3A_129 = tpu.memref_slice %arg14[%mul3A_125, %dma_start3A_128] : memref<10000x128xf32, #tpu.memory_space<vmem_shared>> -> memref<80x128xf32, #tpu.memory_space<vmem_shared>>
        tpu.enqueue_dma source(%dma_start3A_129 : memref<80x128xf32, #tpu.memory_space<vmem_shared>>) target(%dma_start3A_127 : memref<80x128xf32, #tpu.memory_space<hbm>>) target_semaphore(%run_scoped3A : memref<!tpu.dma_semaphore, #tpu.memory_space<semaphore_mem>>)
        %dma_wait3A = arith.constant 0 : i32
        %dma_wait3A_130 = tpu.memref_slice %arg7[%arg0, %mul3A_125, %dma_wait3A] : memref<2x10000x128xf32, #tpu.memory_space<hbm>> -> memref<1x80x128xf32, #tpu.memory_space<hbm>>
        %dma_wait3A_131 = tpu.memref_squeeze %dma_wait3A_130 : memref<1x80x128xf32, #tpu.memory_space<hbm>> -> memref<80x128xf32, #tpu.memory_space<hbm>>
        %dma_wait3A_132 = arith.constant 0 : i32
        %dma_wait3A_133 = tpu.memref_slice %arg14[%mul3A_125, %dma_wait3A_132] : memref<10000x128xf32, #tpu.memory_space<vmem_shared>> -> memref<80x128xf32, #tpu.memory_space<vmem_shared>>
        tpu.wait_dma2 semaphore(%run_scoped3A : memref<!tpu.dma_semaphore, #tpu.memory_space<semaphore_mem>>) src(%dma_wait3A_133 : memref<80x128xf32, #tpu.memory_space<vmem_shared>>) dst(%dma_wait3A_131 : memref<80x128xf32, #tpu.memory_space<hbm>>)
        tpu.yield
      }) : () -> ()
    } else {
    }
    return
  }
}

module attributes {stable_mosaic.version = 14 : i64} {
  func.func @_proj_body(%arg0: i32, %arg1: memref<1000x128xf32, #tpu.memory_space<vmem>>, %arg2: memref<1000x128xf32, #tpu.memory_space<vmem>>, %arg3: memref<1000x128xf32, #tpu.memory_space<vmem>>, %arg4: memref<128x128xf32, #tpu.memory_space<vmem>>, %arg5: memref<1x128xf32, #tpu.memory_space<vmem>>, %arg6: memref<128x128xf32, #tpu.memory_space<vmem>>, %arg7: memref<1x128xf32, #tpu.memory_space<vmem>>, %arg8: memref<128x128xf32, #tpu.memory_space<vmem>>, %arg9: memref<1x128xf32, #tpu.memory_space<vmem>>, %arg10: memref<1000x128xf32, #tpu.memory_space<vmem>>, %arg11: memref<1000x128xf32, #tpu.memory_space<vmem>>, %arg12: memref<1000x128xf32, #tpu.memory_space<vmem>>) attributes {dimension_semantics = [#tpu.dimension_semantics<arbitrary>], iteration_bounds = array<i64: 10>, scalar_prefetch = 0 : i64, scratch_operands = 0 : i64, tpu.core_type = #tpu.core_type<tc>, window_params = [{transform_indices = @transform_0, window_bounds = array<i64: 1000, 128>}, {transform_indices = @transform_1, window_bounds = array<i64: 1000, 128>}, {transform_indices = @transform_2, window_bounds = array<i64: 1000, 128>}, {pipeline_mode = #tpu.pipeline_mode<synchronous>, transform_indices = @transform_3, window_bounds = array<i64: 128, 128>}, {pipeline_mode = #tpu.pipeline_mode<synchronous>, transform_indices = @transform_4, window_bounds = array<i64: 1, 128>}, {pipeline_mode = #tpu.pipeline_mode<synchronous>, transform_indices = @transform_5, window_bounds = array<i64: 128, 128>}, {pipeline_mode = #tpu.pipeline_mode<synchronous>, transform_indices = @transform_6, window_bounds = array<i64: 1, 128>}, {pipeline_mode = #tpu.pipeline_mode<synchronous>, transform_indices = @transform_7, window_bounds = array<i64: 128, 128>}, {pipeline_mode = #tpu.pipeline_mode<synchronous>, transform_indices = @transform_8, window_bounds = array<i64: 1, 128>}, {transform_indices = @transform_9, window_bounds = array<i64: 1000, 128>}, {transform_indices = @transform_10, window_bounds = array<i64: 1000, 128>}, {transform_indices = @transform_11, window_bounds = array<i64: 1000, 128>}]} {
    %get3A = arith.constant 0 : index
    %get3A_0 = arith.constant 0 : index
    %get3A_1 = vector.load %arg1[%get3A, %get3A_0] : memref<1000x128xf32, #tpu.memory_space<vmem>>, vector<1000x128xf32>
    %get3A_2 = arith.constant 0 : index
    %get3A_3 = arith.constant 0 : index
    %get3A_4 = vector.load %arg4[%get3A_2, %get3A_3] : memref<128x128xf32, #tpu.memory_space<vmem>>, vector<128x128xf32>
    %dot_general3A = arith.constant dense<0.000000e+00> : vector<1000x128xf32>
    %dot_general3A_5 = tpu.matmul %get3A_1, %get3A_4, %dot_general3A {dimension_numbers = #tpu.dot_dimension_numbers<[1], [0], [0], [1], [0, 0, 1, 1], [], []>, transpose_lhs_hint = false} : vector<1000x128xf32>, vector<128x128xf32>, vector<1000x128xf32> -> vector<1000x128xf32>
    %get3A_6 = arith.constant 0 : index
    %get3A_7 = arith.constant 0 : index
    %get3A_8 = vector.load %arg5[%get3A_6, %get3A_7] : memref<1x128xf32, #tpu.memory_space<vmem>>, vector<1x128xf32>
    %add3A = vector.broadcast %get3A_8 : vector<1x128xf32> to vector<1000x128xf32>
    %add3A_9 = arith.addf %dot_general3A_5, %add3A : vector<1000x128xf32>
    %swap3A = arith.constant 0 : index
    %swap3A_10 = arith.constant 0 : index
    %swap3A_11 = vector.load %arg10[%swap3A, %swap3A_10] : memref<1000x128xf32, #tpu.memory_space<vmem>>, vector<1000x128xf32>
    tpu.vector_store %arg10[%swap3A, %swap3A_10], %add3A_9 {strides = array<i32>} : memref<1000x128xf32, #tpu.memory_space<vmem>>, vector<1000x128xf32>,
    %get3A_12 = arith.constant 0 : index
    %get3A_13 = arith.constant 0 : index
    %get3A_14 = vector.load %arg2[%get3A_12, %get3A_13] : memref<1000x128xf32, #tpu.memory_space<vmem>>, vector<1000x128xf32>
    %get3A_15 = arith.constant 0 : index
    %get3A_16 = arith.constant 0 : index
    %get3A_17 = vector.load %arg6[%get3A_15, %get3A_16] : memref<128x128xf32, #tpu.memory_space<vmem>>, vector<128x128xf32>
    %dot_general3A_18 = arith.constant dense<0.000000e+00> : vector<1000x128xf32>
    %dot_general3A_19 = tpu.matmul %get3A_14, %get3A_17, %dot_general3A_18 {dimension_numbers = #tpu.dot_dimension_numbers<[1], [0], [0], [1], [0, 0, 1, 1], [], []>, transpose_lhs_hint = false} : vector<1000x128xf32>, vector<128x128xf32>, vector<1000x128xf32> -> vector<1000x128xf32>
    %get3A_20 = arith.constant 0 : index
    %get3A_21 = arith.constant 0 : index
    %get3A_22 = vector.load %arg7[%get3A_20, %get3A_21] : memref<1x128xf32, #tpu.memory_space<vmem>>, vector<1x128xf32>
    %add3A_23 = vector.broadcast %get3A_22 : vector<1x128xf32> to vector<1000x128xf32>
    %add3A_24 = arith.addf %dot_general3A_19, %add3A_23 : vector<1000x128xf32>
    %swap3A_25 = arith.constant 0 : index
    %swap3A_26 = arith.constant 0 : index
    %swap3A_27 = vector.load %arg11[%swap3A_25, %swap3A_26] : memref<1000x128xf32, #tpu.memory_space<vmem>>, vector<1000x128xf32>
    tpu.vector_store %arg11[%swap3A_25, %swap3A_26], %add3A_24 {strides = array<i32>} : memref<1000x128xf32, #tpu.memory_space<vmem>>, vector<1000x128xf32>,
    %get3A_28 = arith.constant 0 : index
    %get3A_29 = arith.constant 0 : index
    %get3A_30 = vector.load %arg3[%get3A_28, %get3A_29] : memref<1000x128xf32, #tpu.memory_space<vmem>>, vector<1000x128xf32>
    %get3A_31 = arith.constant 0 : index
    %get3A_32 = arith.constant 0 : index
    %get3A_33 = vector.load %arg8[%get3A_31, %get3A_32] : memref<128x128xf32, #tpu.memory_space<vmem>>, vector<128x128xf32>
    %dot_general3A_34 = arith.constant dense<0.000000e+00> : vector<1000x128xf32>
    %dot_general3A_35 = tpu.matmul %get3A_30, %get3A_33, %dot_general3A_34 {dimension_numbers = #tpu.dot_dimension_numbers<[1], [0], [0], [1], [0, 0, 1, 1], [], []>, transpose_lhs_hint = false} : vector<1000x128xf32>, vector<128x128xf32>, vector<1000x128xf32> -> vector<1000x128xf32>
    %get3A_36 = arith.constant 0 : index
    %get3A_37 = arith.constant 0 : index
    %get3A_38 = vector.load %arg9[%get3A_36, %get3A_37] : memref<1x128xf32, #tpu.memory_space<vmem>>, vector<1x128xf32>
    %add3A_39 = vector.broadcast %get3A_38 : vector<1x128xf32> to vector<1000x128xf32>
    %add3A_40 = arith.addf %dot_general3A_35, %add3A_39 : vector<1000x128xf32>
    %swap3A_41 = arith.constant 0 : index
    %swap3A_42 = arith.constant 0 : index
    %swap3A_43 = vector.load %arg12[%swap3A_41, %swap3A_42] : memref<1000x128xf32, #tpu.memory_space<vmem>>, vector<1000x128xf32>
    tpu.vector_store %arg12[%swap3A_41, %swap3A_42], %add3A_40 {strides = array<i32>} : memref<1000x128xf32, #tpu.memory_space<vmem>>, vector<1000x128xf32>,
    return
  }
  func.func @transform_0(%arg0: i32) -> (i32, i32) {
    %c0_i32 = arith.constant 0 : i32
    %c0_i32_0 = arith.constant 0 : i32
    return %arg0, %c0_i32 : i32, i32
  }
  func.func @transform_1(%arg0: i32) -> (i32, i32) {
    %c0_i32 = arith.constant 0 : i32
    %c0_i32_0 = arith.constant 0 : i32
    return %arg0, %c0_i32 : i32, i32
  }
  func.func @transform_2(%arg0: i32) -> (i32, i32) {
    %c0_i32 = arith.constant 0 : i32
    %c0_i32_0 = arith.constant 0 : i32
    return %arg0, %c0_i32 : i32, i32
  }
  func.func @transform_3(%arg0: i32) -> (i32, i32) {
    %c0_i32 = arith.constant 0 : i32
    %c0_i32_0 = arith.constant 0 : i32
    %c0_i32_1 = arith.constant 0 : i32
    return %c0_i32, %c0_i32_0 : i32, i32
  }
  func.func @transform_4(%arg0: i32) -> (i32, i32) {
    %c0_i32 = arith.constant 0 : i32
    %c0_i32_0 = arith.constant 0 : i32
    %c0_i32_1 = arith.constant 0 : i32
    return %c0_i32, %c0_i32_0 : i32, i32
  }
  func.func @transform_5(%arg0: i32) -> (i32, i32) {
    %c0_i32 = arith.constant 0 : i32
    %c0_i32_0 = arith.constant 0 : i32
    %c0_i32_1 = arith.constant 0 : i32
    return %c0_i32, %c0_i32_0 : i32, i32
  }
  func.func @transform_6(%arg0: i32) -> (i32, i32) {
    %c0_i32 = arith.constant 0 : i32
    %c0_i32_0 = arith.constant 0 : i32
    %c0_i32_1 = arith.constant 0 : i32
    return %c0_i32, %c0_i32_0 : i32, i32
  }
  func.func @transform_7(%arg0: i32) -> (i32, i32) {
    %c0_i32 = arith.constant 0 : i32
    %c0_i32_0 = arith.constant 0 : i32
    %c0_i32_1 = arith.constant 0 : i32
    return %c0_i32, %c0_i32_0 : i32, i32
  }
  func.func @transform_8(%arg0: i32) -> (i32, i32) {
    %c0_i32 = arith.constant 0 : i32
    %c0_i32_0 = arith.constant 0 : i32
    %c0_i32_1 = arith.constant 0 : i32
    return %c0_i32, %c0_i32_0 : i32, i32
  }
  func.func @transform_9(%arg0: i32) -> (i32, i32) {
    %c0_i32 = arith.constant 0 : i32
    %c0_i32_0 = arith.constant 0 : i32
    return %arg0, %c0_i32 : i32, i32
  }
  func.func @transform_10(%arg0: i32) -> (i32, i32) {
    %c0_i32 = arith.constant 0 : i32
    %c0_i32_0 = arith.constant 0 : i32
    return %arg0, %c0_i32 : i32, i32
  }
  func.func @transform_11(%arg0: i32) -> (i32, i32) {
    %c0_i32 = arith.constant 0 : i32
    %c0_i32_0 = arith.constant 0 : i32
    return %arg0, %c0_i32 : i32, i32
  }
}

module attributes {stable_mosaic.version = 14 : i64} {
  func.func @_mlp_body(%arg0: i32, %arg1: memref<2000x128xf32, #tpu.memory_space<vmem>>, %arg2: memref<2000x16xf32, #tpu.memory_space<vmem>>, %arg3: memref<128x16xf32, #tpu.memory_space<vmem>>, %arg4: memref<1x16xf32, #tpu.memory_space<vmem>>, %arg5: memref<16x16xf32, #tpu.memory_space<vmem>>, %arg6: memref<1x16xf32, #tpu.memory_space<vmem>>, %arg7: memref<1x16xf32, #tpu.memory_space<vmem>>, %arg8: memref<1x1xf32, #tpu.memory_space<vmem>>, %arg9: memref<2000x16xf32, #tpu.memory_space<vmem>>, %arg10: memref<2000x16xf32, #tpu.memory_space<vmem>>) attributes {dimension_semantics = [#tpu.dimension_semantics<arbitrary>], iteration_bounds = array<i64: 160>, scalar_prefetch = 0 : i64, scratch_operands = 0 : i64, tpu.core_type = #tpu.core_type<tc>, window_params = [{transform_indices = @transform_0, window_bounds = array<i64: 2000, 128>}, {transform_indices = @transform_1, window_bounds = array<i64: 2000, 16>}, {pipeline_mode = #tpu.pipeline_mode<synchronous>, transform_indices = @transform_2, window_bounds = array<i64: 128, 16>}, {pipeline_mode = #tpu.pipeline_mode<synchronous>, transform_indices = @transform_3, window_bounds = array<i64: 1, 16>}, {pipeline_mode = #tpu.pipeline_mode<synchronous>, transform_indices = @transform_4, window_bounds = array<i64: 16, 16>}, {pipeline_mode = #tpu.pipeline_mode<synchronous>, transform_indices = @transform_5, window_bounds = array<i64: 1, 16>}, {pipeline_mode = #tpu.pipeline_mode<synchronous>, transform_indices = @transform_6, window_bounds = array<i64: 1, 16>}, {pipeline_mode = #tpu.pipeline_mode<synchronous>, transform_indices = @transform_7, window_bounds = array<i64: 1, 1>}, {transform_indices = @transform_8, window_bounds = array<i64: 2000, 16>}, {transform_indices = @transform_9, window_bounds = array<i64: 2000, 16>}]} {
    %get3A = arith.constant 0 : index
    %get3A_0 = arith.constant 0 : index
    %get3A_1 = vector.load %arg2[%get3A, %get3A_0] : memref<2000x16xf32, #tpu.memory_space<vmem>>, vector<2000x16xf32>
    %get3A_2 = arith.constant 0 : index
    %get3A_3 = arith.constant 0 : index
    %get3A_4 = vector.load %arg7[%get3A_2, %get3A_3] : memref<1x16xf32, #tpu.memory_space<vmem>>, vector<1x16xf32>
    %mul3A = vector.broadcast %get3A_4 : vector<1x16xf32> to vector<2000x16xf32>
    %mul3A_5 = arith.mulf %get3A_1, %mul3A : vector<2000x16xf32>
    %reduce_sum3A = arith.constant dense<0.000000e+00> : vector<2000xf32>
    %reduce_sum3A_6 = vector.multi_reduction <add>, %mul3A_5, %reduce_sum3A [1] : vector<2000x16xf32> to vector<2000xf32>
    %broadcast_in_dim3A = vector.shape_cast %reduce_sum3A_6 : vector<2000xf32> to vector<2000x1xf32>
    %get3A_7 = arith.constant 0 : index
    %get3A_8 = arith.constant 0 : index
    %get3A_9 = vector.load %arg8[%get3A_7, %get3A_8] : memref<1x1xf32, #tpu.memory_space<vmem>>, vector<1x1xf32>
    %add3A = vector.broadcast %get3A_9 : vector<1x1xf32> to vector<2000x1xf32>
    %add3A_10 = arith.addf %broadcast_in_dim3A, %add3A : vector<2000x1xf32>
    %get3A_11 = arith.constant 0 : index
    %get3A_12 = arith.constant 0 : index
    %get3A_13 = vector.load %arg1[%get3A_11, %get3A_12] : memref<2000x128xf32, #tpu.memory_space<vmem>>, vector<2000x128xf32>
    %add3A_14 = vector.broadcast %add3A_10 : vector<2000x1xf32> to vector<2000x128xf32>
    %add3A_15 = arith.addf %get3A_13, %add3A_14 : vector<2000x128xf32>
    %max3A = arith.constant 0.000000e+00 : f32
    %max3A_16 = vector.broadcast %max3A : f32 to vector<2000x128xf32>
    %max3A_17 = arith.maximumf %add3A_15, %max3A_16 : vector<2000x128xf32>
    %get3A_18 = arith.constant 0 : index
    %get3A_19 = arith.constant 0 : index
    %get3A_20 = vector.load %arg3[%get3A_18, %get3A_19] : memref<128x16xf32, #tpu.memory_space<vmem>>, vector<128x16xf32>
    %dot_general3A = arith.constant dense<0.000000e+00> : vector<2000x16xf32>
    %dot_general3A_21 = tpu.matmul %max3A_17, %get3A_20, %dot_general3A {dimension_numbers = #tpu.dot_dimension_numbers<[1], [0], [0], [1], [0, 0, 1, 1], [], []>, transpose_lhs_hint = false} : vector<2000x128xf32>, vector<128x16xf32>, vector<2000x16xf32> -> vector<2000x16xf32>
    %get3A_22 = arith.constant 0 : index
    %get3A_23 = arith.constant 0 : index
    %get3A_24 = vector.load %arg4[%get3A_22, %get3A_23] : memref<1x16xf32, #tpu.memory_space<vmem>>, vector<1x16xf32>
    %add3A_25 = vector.broadcast %get3A_24 : vector<1x16xf32> to vector<2000x16xf32>
    %add3A_26 = arith.addf %dot_general3A_21, %add3A_25 : vector<2000x16xf32>
    %max3A_27 = arith.constant 0.000000e+00 : f32
    %max3A_28 = vector.broadcast %max3A_27 : f32 to vector<2000x16xf32>
    %max3A_29 = arith.maximumf %add3A_26, %max3A_28 : vector<2000x16xf32>
    %get3A_30 = arith.constant 0 : index
    %get3A_31 = arith.constant 0 : index
    %get3A_32 = vector.load %arg5[%get3A_30, %get3A_31] : memref<16x16xf32, #tpu.memory_space<vmem>>, vector<16x16xf32>
    %dot_general3A_33 = arith.constant dense<0.000000e+00> : vector<2000x16xf32>
    %dot_general3A_34 = tpu.matmul %max3A_29, %get3A_32, %dot_general3A_33 {dimension_numbers = #tpu.dot_dimension_numbers<[1], [0], [0], [1], [0, 0, 1, 1], [], []>, transpose_lhs_hint = false} : vector<2000x16xf32>, vector<16x16xf32>, vector<2000x16xf32> -> vector<2000x16xf32>
    %get3A_35 = arith.constant 0 : index
    %get3A_36 = arith.constant 0 : index
    %get3A_37 = vector.load %arg6[%get3A_35, %get3A_36] : memref<1x16xf32, #tpu.memory_space<vmem>>, vector<1x16xf32>
    %add3A_38 = vector.broadcast %get3A_37 : vector<1x16xf32> to vector<2000x16xf32>
    %add3A_39 = arith.addf %dot_general3A_34, %add3A_38 : vector<2000x16xf32>
    %reduce_max3A = arith.constant dense<0xFF800000> : vector<2000xf32>
    %reduce_max3A_40 = vector.multi_reduction <maximumf>, %add3A_39, %reduce_max3A [1] : vector<2000x16xf32> to vector<2000xf32>
    %broadcast_in_dim3A_41 = vector.shape_cast %reduce_max3A_40 : vector<2000xf32> to vector<2000x1xf32>
    %sub3A = vector.broadcast %broadcast_in_dim3A_41 : vector<2000x1xf32> to vector<2000x16xf32>
    %sub3A_42 = arith.subf %add3A_39, %sub3A : vector<2000x16xf32>
    %exp3A = math.exp %sub3A_42 : vector<2000x16xf32>
    %reduce_sum3A_43 = arith.constant dense<0.000000e+00> : vector<2000xf32>
    %reduce_sum3A_44 = vector.multi_reduction <add>, %exp3A, %reduce_sum3A_43 [1] : vector<2000x16xf32> to vector<2000xf32>
    %broadcast_in_dim3A_45 = vector.shape_cast %reduce_sum3A_44 : vector<2000xf32> to vector<2000x1xf32>
    %div3A = vector.broadcast %broadcast_in_dim3A_45 : vector<2000x1xf32> to vector<2000x16xf32>
    %div3A_46 = arith.divf %exp3A, %div3A : vector<2000x16xf32>
    %swap3A = arith.constant 0 : index
    %swap3A_47 = arith.constant 0 : index
    %swap3A_48 = vector.load %arg9[%swap3A, %swap3A_47] : memref<2000x16xf32, #tpu.memory_space<vmem>>, vector<2000x16xf32>
    tpu.vector_store %arg9[%swap3A, %swap3A_47], %div3A_46 {strides = array<i32>} : memref<2000x16xf32, #tpu.memory_space<vmem>>, vector<2000x16xf32>,
    %mul3A_49 = vector.broadcast %add3A_10 : vector<2000x1xf32> to vector<2000x16xf32>
    %mul3A_50 = arith.mulf %div3A_46, %mul3A_49 : vector<2000x16xf32>
    %swap3A_51 = arith.constant 0 : index
    %swap3A_52 = arith.constant 0 : index
    %swap3A_53 = vector.load %arg10[%swap3A_51, %swap3A_52] : memref<2000x16xf32, #tpu.memory_space<vmem>>, vector<2000x16xf32>
    tpu.vector_store %arg10[%swap3A_51, %swap3A_52], %mul3A_50 {strides = array<i32>} : memref<2000x16xf32, #tpu.memory_space<vmem>>, vector<2000x16xf32>,
    return
  }
  func.func @transform_0(%arg0: i32) -> (i32, i32) {
    %c0_i32 = arith.constant 0 : i32
    %c0_i32_0 = arith.constant 0 : i32
    return %arg0, %c0_i32 : i32, i32
  }
  func.func @transform_1(%arg0: i32) -> (i32, i32) {
    %c0_i32 = arith.constant 0 : i32
    %c0_i32_0 = arith.constant 0 : i32
    return %arg0, %c0_i32 : i32, i32
  }
  func.func @transform_2(%arg0: i32) -> (i32, i32) {
    %c0_i32 = arith.constant 0 : i32
    %c0_i32_0 = arith.constant 0 : i32
    %c0_i32_1 = arith.constant 0 : i32
    return %c0_i32, %c0_i32_0 : i32, i32
  }
  func.func @transform_3(%arg0: i32) -> (i32, i32) {
    %c0_i32 = arith.constant 0 : i32
    %c0_i32_0 = arith.constant 0 : i32
    %c0_i32_1 = arith.constant 0 : i32
    return %c0_i32, %c0_i32_0 : i32, i32
  }
  func.func @transform_4(%arg0: i32) -> (i32, i32) {
    %c0_i32 = arith.constant 0 : i32
    %c0_i32_0 = arith.constant 0 : i32
    %c0_i32_1 = arith.constant 0 : i32
    return %c0_i32, %c0_i32_0 : i32, i32
  }
  func.func @transform_5(%arg0: i32) -> (i32, i32) {
    %c0_i32 = arith.constant 0 : i32
    %c0_i32_0 = arith.constant 0 : i32
    %c0_i32_1 = arith.constant 0 : i32
    return %c0_i32, %c0_i32_0 : i32, i32
  }
  func.func @transform_6(%arg0: i32) -> (i32, i32) {
    %c0_i32 = arith.constant 0 : i32
    %c0_i32_0 = arith.constant 0 : i32
    %c0_i32_1 = arith.constant 0 : i32
    return %c0_i32, %c0_i32_0 : i32, i32
  }
  func.func @transform_7(%arg0: i32) -> (i32, i32) {
    %c0_i32 = arith.constant 0 : i32
    %c0_i32_0 = arith.constant 0 : i32
    %c0_i32_1 = arith.constant 0 : i32
    return %c0_i32, %c0_i32_0 : i32, i32
  }
  func.func @transform_8(%arg0: i32) -> (i32, i32) {
    %c0_i32 = arith.constant 0 : i32
    %c0_i32_0 = arith.constant 0 : i32
    return %arg0, %c0_i32 : i32, i32
  }
  func.func @transform_9(%arg0: i32) -> (i32, i32) {
    %c0_i32 = arith.constant 0 : i32
    %c0_i32_0 = arith.constant 0 : i32
    return %arg0, %c0_i32 : i32, i32
  }
}

module attributes {stable_mosaic.version = 14 : i64} {
  func.func @_sum_body(%arg0: i32, %arg1: memref<2x1000x128xf32, #tpu.memory_space<vmem>>, %arg2: memref<1000x128xf32, #tpu.memory_space<vmem>>) attributes {dimension_semantics = [#tpu.dimension_semantics<arbitrary>], iteration_bounds = array<i64: 10>, scalar_prefetch = 0 : i64, scratch_operands = 0 : i64, tpu.core_type = #tpu.core_type<tc>, window_params = [{transform_indices = @transform_0, window_bounds = array<i64: 2, 1000, 128>}, {transform_indices = @transform_1, window_bounds = array<i64: 1000, 128>}]} {
    %get3A = arith.constant 0 : index
    %get3A_0 = arith.constant 0 : index
    %get3A_1 = arith.constant 0 : index
    %get3A_2 = vector.load %arg1[%get3A, %get3A_0, %get3A_1] : memref<2x1000x128xf32, #tpu.memory_space<vmem>>, vector<1x1000x128xf32>
    %get3A_3 = vector.shape_cast %get3A_2 : vector<1x1000x128xf32> to vector<1000x128xf32>
    %get3A_4 = arith.constant 1 : index
    %get3A_5 = arith.constant 0 : index
    %get3A_6 = arith.constant 0 : index
    %get3A_7 = vector.load %arg1[%get3A_4, %get3A_5, %get3A_6] : memref<2x1000x128xf32, #tpu.memory_space<vmem>>, vector<1x1000x128xf32>
    %get3A_8 = vector.shape_cast %get3A_7 : vector<1x1000x128xf32> to vector<1000x128xf32>
    %add3A = arith.addf %get3A_3, %get3A_8 : vector<1000x128xf32>
    %swap3A = arith.constant 0 : index
    %swap3A_9 = arith.constant 0 : index
    %swap3A_10 = vector.load %arg2[%swap3A, %swap3A_9] : memref<1000x128xf32, #tpu.memory_space<vmem>>, vector<1000x128xf32>
    tpu.vector_store %arg2[%swap3A, %swap3A_9], %add3A {strides = array<i32>} : memref<1000x128xf32, #tpu.memory_space<vmem>>, vector<1000x128xf32>,
    return
  }
  func.func @transform_0(%arg0: i32) -> (i32, i32, i32) {
    %c0_i32 = arith.constant 0 : i32
    %c0_i32_0 = arith.constant 0 : i32
    %c0_i32_1 = arith.constant 0 : i32
    return %c0_i32, %arg0, %c0_i32_0 : i32, i32, i32
  }
  func.func @transform_1(%arg0: i32) -> (i32, i32) {
    %c0_i32 = arith.constant 0 : i32
    %c0_i32_0 = arith.constant 0 : i32
    return %arg0, %c0_i32 : i32, i32
  }
}

</mosaic_0001>

<sc_bundles>
// kernel: kernel.10.cloned.1.call-start
scs
__scs_entry_jumppad:
0x0: {  	(pc) =	sbr.rel $0x88, $3  }
0x1: {  	(tag) =	ssettag $0x0;
	lr =	simm.s32 $0x1  }
0x2: {  	[smem:$0x3F90] =	sst lr;
	_ =	strace $0xD0000000  }
0x3: {  	_ = 	snop  }
0x4: {  	_ = 	snop  }
0x5: {  	_ = 	snop  }
0x6: {  	_ = 	snop  }
0x7: {  	_ = 	snop  }
__scs_overlays_trampoline_lowered:
0x8: {  	[smem:$0x3F9F] =	sst s0  }
0x9: {  	[smem:$0x3FA0] =	sst s1  }
0xa: {  	[smem:$0x3FA1] =	sst s2  }
0xb: {  	[smem:$0x3FA2] =	sst s3  }
0xc: {  	[smem:$0x3FA3] =	sst s4  }
0xd: {  	[smem:$0x3FA4] =	sst s5  }
0xe: {  	[smem:$0x3FA5] =	sst s6  }
0xf: {  	[smem:$0x3FA6] =	sst s7  }
0x10: {  	[smem:$0x3FA7] =	sst s8  }
0x11: {  	[smem:$0x3FA8] =	sst s9;
	s0 =	simm.s32 @!p0 $0x0  }
0x12: {  	s1 =	sld [smem:$0x3F8E];
	s0 =	simm.s32 @p0 $0x1  }
0x13: {  	[smem:$0x3FA9] =	sst s0;
	s0 =	simm.s32 @!p1 $0x0  }
0x14: {  	s2 =	sld [smem:$0x3F8D];
	s0 =	simm.s32 @p1 $0x1  }
0x15: {  	[smem:$0x3FAA] =	sst s0;
	s0 =	simm.s32 @!p2 $0x0  }
0x16: {  	s3 =	sld [smem:$0x3FDB];
	s0 =	simm.s32 @p2 $0x1  }
0x17: {  	s4 =	simm.s32 $0x1BF5;
	[smem:$0x3FAC] =	sst s0  }
0x18: {  	s0 =	sld [smem:$0x3F8F];
	_ =	swait.ge [sflag:s4], $0x0  }
0x19: {  	s7 =	sld [smem:$0x3F90]  }
0x1a: {  	s8 =	sadd.s32 $0xFFFFE003, lr  }
0x1b: {  	s9 =	sadd.s32 $0xFFFFFEF7, lr;
	s5 =	simm.s32 $0xFFFFFFFF;
	p2 =	slt.u32 s8, $0xFFFFF086  }
0x1c: {  	p1 =	slt.u32 s9, $0xF7A;
	s5 =	simm.s32 @!p2 $0x0  }
0x1d: {  	s5 =	simm.s32 @p1 $0x1;
	p0 =	seq.s32 s7, s2  }
0x1e: {  	s7 =	smul.u32 @!p0 $0xF7A, s2;
	p2 =	seq.s32 @!p0 s5, $0x0  }
0x1f: {  	s9 =	smul.u32 $0xF7A, s1;
	s8 =	simm.s32 @!p0 $0x1BF5;
	p2 =	por !p2, p0  }
0x20: {  	[sflag:s8] =	ssyncset.s32 @!p0 $0xFFFFF086;
	s6 =	sadd.s32 @!p0 s3, s7;
	s7 =	simm.s32 @!p0 $0x108  }
0x21: {  	s3 =	sadd.s32 s3, s9;
	s6 =	sadd.s32 @!p0 $0x88, s6;
	s7 =	simm.s32 @p2 $0x1082  }
0x22: {  	[simem:s7], [sflag:s8] =	dma.local @!p0 [hbm:s6], $0xF7A  }
0x23: {  	s9 =	sor.u32 $0xD0000000, s2;
	s6 =	simm.s32 $0x108;
	_ =	swait.ge @!p0 [sflag:s8], $0x0  }
0x24: {  	s3 =	sadd.s32 $0x88, s3;
	s6 =	simm.s32 @!p1 $0x1082;
	[sflag:s4] =	ssyncset.s32 $0xFFFFF086  }
0x25: {  	[simem:s6], [sflag:s4] =	dma.local [hbm:s3], $0xF7A  }
0x26: {  	[smem:$0x3F90] =	sst s1;
	(tag) =	ssettag s2;
	_ =	strace s9  }
0x27: {  	s1 =	sld [smem:$0x3FA0]  }
0x28: {  	s2 =	sld [smem:$0x3FA1]  }
0x29: {  	s4 =	sld [smem:$0x3FA3]  }
0x2a: {  	p0 =	seq.s32 s5, $0x0;
	s5 =	sld [smem:$0x3FA4]  }
0x2b: {  	s6 =	sld [smem:$0x3FA5]  }
0x2c: {  	s7 =	sld [smem:$0x3FA6]  }
0x2d: {  	s3 =	simm.s32 $0x108;
	s8 =	sld [smem:$0x3FA7]  }
0x2e: {  	s3 =	simm.s32 @!p0 $0x1082;
	s9 =	sld [smem:$0x3FA8]  }
0x2f: {  	lr =	sadd.s32 s0, s3;
	s0 =	sld [smem:$0x3F9F]  }
0x30: {  	s3 =	sld [smem:$0x3FA2]  }
0x31: {  	[smem:$0x3FAB] =	sst s10  }
0x32: {  	s10 =	sld [smem:$0x3FA9];
	_ =	sdelay $0x3  }
0x33: {  	p0 =	seq.s32 s10, $0x1;
	s10 =	sld [smem:$0x3FAB];
	_ =	sdelay $0x3  }
0x34: {  	[smem:$0x3FAB] =	sst s10  }
0x35: {  	s10 =	sld [smem:$0x3FAA];
	_ =	sdelay $0x3  }
0x36: {  	p1 =	seq.s32 s10, $0x1;
	s10 =	sld [smem:$0x3FAB];
	_ =	sdelay $0x3  }
0x37: {  	[smem:$0x3FAB] =	sst s10  }
0x38: {  	s10 =	sld [smem:$0x3FAC]  }
0x39: {  	_ = 	snop;
	(pc) =	sbr.ind lr, $3  }
0x3a: {  	_ = 	snop  }
0x3b: {  	_ = 	snop  }
0x3c: {  	p2 =	seq.s32 s10, $0x1;
	s10 =	sld [smem:$0x3FAB]  }
0x3d: {  	_ =	shalt  }
0x3e: {  	_ =	shalt  }
0x3f: {  	_ =	shalt  }
0x40: {  	_ =	shalt  }
0x41: {  	_ =	shalt  }
0x42: {  	_ =	shalt  }
0x43: {  	_ =	shalt  }
0x44: {  	_ =	shalt  }
0x45: {  	_ =	shalt  }
0x46: {  	_ =	shalt  }
0x47: {  	_ =	shalt  }
0x48: {  	_ =	shalt  }
0x49: {  	_ =	shalt  }
0x4a: {  	_ =	shalt  }
0x4b: {  	_ =	shalt  }
0x4c: {  	_ =	shalt  }
0x4d: {  	_ =	shalt  }
0x4e: {  	_ =	shalt  }
0x4f: {  	_ =	shalt  }
0x50: {  	_ =	shalt  }
0x51: {  	_ =	shalt  }
0x52: {  	_ =	shalt  }
0x53: {  	_ =	shalt  }
0x54: {  	_ =	shalt  }
0x55: {  	_ =	shalt  }
0x56: {  	_ =	shalt  }
0x57: {  	_ =	shalt  }
0x58: {  	_ =	shalt  }
0x59: {  	_ =	shalt  }
0x5a: {  	_ =	shalt  }
0x5b: {  	_ =	shalt  }
0x5c: {  	_ =	shalt  }
0x5d: {  	_ =	shalt  }
0x5e: {  	_ =	shalt  }
0x5f: {  	_ =	shalt  }
0x60: {  	_ =	shalt  }
0x61: {  	_ =	shalt  }
0x62: {  	_ =	shalt  }
0x63: {  	_ =	shalt  }
0x64: {  	_ =	shalt  }
0x65: {  	_ =	shalt  }
0x66: {  	_ =	shalt  }
0x67: {  	_ =	shalt  }
0x68: {  	_ =	shalt  }
0x69: {  	_ =	shalt  }
0x6a: {  	_ =	shalt  }
0x6b: {  	_ =	shalt  }
0x6c: {  	_ =	shalt  }
0x6d: {  	_ =	shalt  }
0x6e: {  	_ =	shalt  }
0x6f: {  	_ =	shalt  }
0x70: {  	_ =	shalt  }
0x71: {  	_ =	shalt  }
0x72: {  	_ =	shalt  }
0x73: {  	_ =	shalt  }
0x74: {  	_ =	shalt  }
0x75: {  	_ =	shalt  }
0x76: {  	_ =	shalt  }
0x77: {  	_ =	shalt  }
0x78: {  	_ =	shalt  }
0x79: {  	_ =	shalt  }
0x7a: {  	_ =	shalt  }
0x7b: {  	_ =	shalt  }
0x7c: {  	_ =	shalt  }
0x7d: {  	_ =	shalt  }
0x7e: {  	_ =	shalt  }
0x7f: {  	_ =	shalt  }
0x80: {  	_ =	shalt  }
0x81: {  	_ =	shalt  }
0x82: {  	_ =	shalt  }
0x83: {  	_ =	shalt  }
0x84: {  	_ =	shalt  }
0x85: {  	_ =	shalt  }
0x86: {  	_ =	shalt  }
0x87: {  	_ =	shalt  }
.Lfunc_end0:
.L_simem_size_0:
called_computation.1_lowered:
.L_overlay_start_0:
0x88: {  	s2 =	sld [smem:$0x3FD9]  }
0x89: {  	s3 =	sld [smem:$0x3FFE];
	_ =	sdelay $0x1  }
0x8a: {  	s1 =	srdreg.scid  }
0x8b: {  	s0 =	sand.u32 $0x1, s1  }
0x8c: {  	s17 =	sshll.u32 s0, $0xA;
	s2 =	sadd.s32 s3, s2  }
0x8d: {  	s2 =	sadd.s32 s2, s17  }
0x8e: {  	[smem:$0x3FB7] =	sst s2  }
0x8f: {  	_ = 	snop  }
0x90: {  	s2 =	sld [smem:$0x3FD0];
	(tm) =	ssettm $0x1  }
0x91: {  	s18 =	sld [smem:$0x3FFB];
	_ =	sdelay $0x3  }
0x92: {  	_ =	strace s18  }
0x93: {  	s3 =	sld [smem:$0x3FFC];
	_ =	sdelay $0x3  }
0x94: {  	_ =	strace s3  }
0x95: {  	s3 =	sld [smem:$0x3FFD];
	_ =	sdelay $0x3  }
0x96: {  	_ =	strace s3  }
0x97: {  	_ =	strace $0x8FFFFFFF  }
0x98: {  	s19 =	sld [smem:$0x3FDB];
	_ =	sdelay $0x1  }
0x99: {  	s4 =	simm.s32 $_scs_section_size  }
0x9a: {  	s5 =	simm.s32 $_size__tile_overlayer_lowered;
	s6 =	simm.s32 $_tile_overlayer_lowered  }
0x9b: {  	s22 =	simm.s32 $0x1BFF;
	s21 =	sshll.u32 s6, $0x1;
	s3 =	sadd.s32 s4, s19  }
0x9c: {  	s7 =	simm.s32 $0x0;
	s20 =	sshll.u32 s5, $0x1;
	s5 =	sadd.s32 s21, s3  }
0x9d: {  	[timem:s7], [sflag:s22] =	dma.local [hbm:s5], s20  }
0x9e: {  	_ =	swait.ge [sflag:s22], s20  }
0x9f: {  	s4 =	ssub.s32 $0x0, s20;
	[sflag:s22] =	ssyncset.done $0x0  }
0xa0: {  	[sflag:s22] =	ssyncadd.s32 s4;
	_ =	sdelay $0x1  }
0xa1: {  	s23 =	simm.s32 $0x1B8B  }
0xa2: {  	_ =	swait.ge [sflag:s23], $0x1  }
0xa3: {  	[sflag:s23] =	ssyncset.done $0x0  }
0xa4: {  	s25 =	simm.s32 $0x1B8E;
	s24 =	sld [smem:$0x3FFE];
	[sflag:s23] =	ssyncadd.s32 $0xFFFFFFFF  }
0xa5: {  	s26 =	simm.s32 $execute0_lowered;
	[smem:$0x3FD2] =	sst s25  }
0xa6: {  	s5 =	sshll.u32 s26, $0x1;
	_ =	strace $0x80000049;
	[dreg:$0x1] =	wrdreg $0xFFFFFFFF  }
0xa7: {  	s28 =	simm.s32 $_size_execute0_lowered;
	s3 =	sadd.s32 s3, s5;
	[dreg:$0x0] =	wrdreg $0x0  }
0xa8: {  	s5 =	sshll.u32 s28, $0x1;
	[dreg:$0x2] =	wrdreg s3  }
0xa9: {  	[dreg:$0x3] =	wrdreg s5  }
0xaa: {  	[dreg:$0x4] =	wrdreg $0xC0  }
0xab: {  	_ =	task [dreg:s7], $0x5FFFF  }
0xac: {  	[dreg:$0x1] =	wrdreg $0xFFFFFFFF  }
0xad: {  	[dreg:$0x0] =	wrdreg $0x60  }
0xae: {  	[dreg:$0x2] =	wrdreg s2  }
0xaf: {  	[dreg:$0x3] =	wrdreg s24  }
0xb0: {  	[dreg:$0x4] =	wrdreg $0xA1000  }
0xb1: {  	[dreg:$0x5] =	wrdreg $0x9  }
0xb2: {  	_ =	task.clear_ibuf [dreg:s7], $0x6FFFF;
	_ =	strace $0x90000049  }
0xb3: {  	s29 =	simm.s32 $0x9;
	_ =	strace $0x8000004B  }
0xb4: {  	_ =	swait.ge [sflag:s29], $0x1  }
0xb5: {  	[sflag:s29] =	ssyncadd.s32 $0xFFFFFFFF  }
0xb6: {  	_ =	strace $0x9000004B  }
0xb7: {  	_ =	sfence  }
0xb8: {  	s30 =	sld [smem:$0x0];
	_ =	sdelay $0x2  }
0xb9: {  	s31 =	sshll.u32 s1, $0xD;
	s1 =	sshrl.u32 s1, $0x2  }
0xba: {  	s3 =	sand.u32 $0x4000, s31;
	s1 =	sadd.s32 s1, s30  }
0xbb: {  	s0 =	sor.u32 s3, s0;
	s1 =	sshll.u32 s1, $0x11  }
0xbc: {  	s0 =	sor.u32 s1, s0  }
0xbd: {  	s0 =	sadd.s32 $0x8F2B, s0  }
0xbe: {  	[sflag:s0] =	ssyncadd.remote.s32 $0x1  }
0xbf: {  	_ =	sfence.sel $0xFFFF  }
0xc0: {  	[dreg:$0x0] =	wrdreg $0xFFFFFFFF;
	(pc) =	sbr.abs _section_cstart, $3  }
0xc1: {  	[dreg:$0x1] =	wrdreg $0xFFFFFFFF  }
0xc2: {  	_ =	task.clear_ibuf [dreg:s7], $0x2FFFF;
	_ =	strace $0x9FFFFFFF  }
0xc3: {  	(tm) =	ssettm $0x7FFFFFFF  }
tec
execute0_lowered:
.L_overlay_start_1:
0x0: {  	(tag) =	ssettag $0x1  }
0x1: {  	s1 =	rddreg [dreg:$0x0]  }
0x2: {  	s0 =	rddreg [dreg:$0x1];
	s2 =	srdreg.scid  }
0x3: {  	s28 =	stileid.u32;
	s3 =	rddreg [dreg:$0x2]  }
0x4: {  	s4 =	simm.s32 $0x0;
	s2 =	sand.u32 $0x1, s2;
	s9 =	smul.u32 $0x2800, s28  }
0x5: {  	s29 =	simm.s32 $0x2;
	s8 =	sor.u32 $0x10, s28;
	s7 =	smul.u32 $0x138800, s2  }
0x6: {  	s30 =	simm.s32 $0x80;
	s11 =	sor.u32 $0x20, s28;
	s12 =	smul.u32 $0x2800, s8  }
0x7: {  	s31 =	simm.s32 $0x50;
	s13 =	sor.u32 $0x30, s28;
	s14 =	smul.u32 $0x2800, s11  }
0x8: {  	s5 =	sshll.u32 s28, $0x1;
	s19 =	sor.u32 $0x40, s28;
	s16 =	smul.u32 $0x2800, s13  }
0x9: {  	[smem:$0x7FF] =	sst s4;
	s20 =	sor.u32 $0x50, s28;
	s26 =	smul.u32 $0x2800, s19  }
0xa: {  	s6 =	sadd.s32 $0xBC00, s0;
	s21 =	sor.u32 $0x60, s28;
	s17 =	smul.u32 $0x2800, s20  }
0xb: {  	s10 =	sadd.s32 $0x15A00, s0;
	s22 =	sor.u32 $0x70, s28;
	s18 =	smul.u32 $0x2800, s21  }
0xc: {  	s5 =	sor.u32 s2, s5;
	s2 =	ssub.s32 $0x2, s2;
	s23 =	smul.u32 $0x2800, s22  }
0xd: {  	p0 =	sgt.u32 s28, $0xC;
	s8 =	smul.u32 $0xA000, s8;
	s15 =	sshrl.u32 s2, $0x1  }
0xe: {  	_ =	strace $0x8000004A;
	s5 =	smul.u32 $0x2710, s5;
	s2 =	ssub.s32 s2, s15  }
0xf: {  	s9 =	sadd.s32 s9, s7;
	s12 =	sadd.s32 s7, s12;
	s14 =	sadd.s32 s7, s14  }
0x10: {  	s16 =	sadd.s32 s7, s16;
	s15 =	sadd.s32 s7, s26;
	s17 =	sadd.s32 s7, s17  }
0x11: {  	s18 =	sadd.s32 s7, s18;
	s7 =	sadd.s32 s7, s23;
	s23 =	smul.u32 $0xA000, s28  }
0x12: {  	s8 =	sshrl.u32 s8, $0x2;
	s28 =	simm.s32 $0x7900;
	s9 =	sshrl.u32 s9, $0x3  }
0x13: {  	s24 =	sshrl.u32 s12, $0x3;
	s25 =	sshrl.u32 s14, $0x3;
	s26 =	sshrl.u32 s16, $0x3  }
0x14: {  	s16 =	sshrl.u32 s15, $0x3;
	s7 =	sshrl.u32 s7, $0x3;
	s12 =	smul.u32 $0xA000, s11  }
0x15: {  	s15 =	sadd.s32 $0x1E00, s0;
	s11 =	smul.u32 $0xA000, s21;
	s9 =	sadd.s32 s10, s9  }
0x16: {  	s14 =	sadd.s32 s10, s26;
	s23 =	sshrl.u32 s23, $0x2;
	[dreg:$0x4] =	wrdreg s9  }
0x17: {  	s9 =	sadd.s32 s10, s24;
	[dreg:$0x7] =	wrdreg s14;
	s24 =	sshrl.u32 s17, $0x3  }
0x18: {  	s14 =	sadd.s32 s10, s7;
	s17 =	sadd.s32 $0xF0A000, s0;
	s7 =	sshrl.u32 s12, $0x2  }
0x19: {  	[dreg:$0x5] =	wrdreg s9;
	s9 =	sadd.s32 s10, s25;
	s25 =	sshrl.u32 s18, $0x3  }
0x1a: {  	s18 =	sadd.s32 s23, s3;
	[dreg:$0x6] =	wrdreg s9;
	s9 =	sadd.s32 s10, s16  }
0x1b: {  	s26 =	sadd.s32 s10, s25;
	s16 =	sadd.s32 $0xA28000, s0;
	s25 =	smul.u32 $0xA000, s19  }
0x1c: {  	[dreg:$0x8] =	wrdreg s9;
	s9 =	sadd.s32 s10, s24;
	s24 =	smul.u32 $0xA000, s13  }
0x1d: {  	s19 =	sadd.s32 s8, s3;
	[dreg:$0xa] =	wrdreg s26;
	s26 =	smul.u32 $0xA000, s20  }
0x1e: {  	s8 =	simm.s32 $0x1;
	s20 =	sadd.s32 s7, s3;
	s13 =	smul.u32 $0xA000, s22  }
0x1f: {  	s7 =	simm.s32 $0x5100;
	[dreg:$0x9] =	wrdreg s9;
	s0 =	sshrl.u32 s25, $0x2  }
0x20: {  	s25 =	sshrl.u32 s11, $0x2;
	s12 =	sshrl.u32 s24, $0x2;
	s22 =	sadd.s32 s0, s3  }
0x21: {  	s24 =	sshrl.u32 s26, $0x2;
	s26 =	sshrl.u32 s13, $0x2;
	s0 =	simm.s32 $0x2900  }
0x22: {  	s21 =	sadd.s32 s12, s3;
	s23 =	sadd.s32 s24, s3;
	s24 =	sadd.s32 s25, s3  }
0x23: {  	v0 =	vimm.f32 $0.0e+00;
	s25 =	sadd.s32 s26, s3;
	s26 =	smax.u32 s2, $0x1;
	s2 =	simm.s32 $0x100  }
.LBB2_1:
0x24: {  	s9 =	simm.s32 $0x0;
	s10 =	simm.s32 $0x200  }
.LBB2_2:
0x25: {  	p1 =	sne.s32 s10, $0x9E00;
	[tilespmem:s9+$0x7970] =	vst v0  }
0x26: {  	[tilespmem:s9+$0x7900] =	vst v0  }
0x27: {  	[tilespmem:s9+$0x7910] =	vst v0  }
.Ltmp0:
0x28: {  	[tilespmem:s9+$0x7920] =	vst v0;
	(pc) =	sbr.rel @p1 .LBB2_2-.Ltmp0, $4  }
0x29: {  	[tilespmem:s9+$0x7930] =	vst v0  }
0x2a: {  	[tilespmem:s9+$0x7940] =	vst v0  }
0x2b: {  	[tilespmem:s9+$0x7950] =	vst v0  }
0x2c: {  	[tilespmem:s9+$0x7960] =	vst v0;
	s9 =	sshra.s32 s10, $0x2;
	s10 =	sadd.s32 $0x200, s10  }
0x2d: {  	[tilespmem:s9+$0x7970] =	vst v0  }
0x2e: {  	[tilespmem:s9+$0x7900] =	vst v0  }
0x2f: {  	[tilespmem:s9+$0x7910] =	vst v0  }
0x30: {  	[tilespmem:s9+$0x7920] =	vst v0  }
0x31: {  	[tilespmem:s9+$0x7930] =	vst v0  }
0x32: {  	[tilespmem:s9+$0x7940] =	vst v0  }
0x33: {  	[tilespmem:s9+$0x7950] =	vst v0  }
0x34: {  	[tilespmem:s9+$0x7960] =	vst v0  }
0x35: {  	[spmem:s18] =	stream.linear.scatter [tilespmem:s28], [sflag:$0x2], $0x2800, $0x38;
	[tilespmem:$0x1D980] =	vst v63  }
0x36: {  	_ =	swait.ge [sflag:s29], $0x2800  }
0x37: {  	[sflag:s29] =	ssyncset.done $0x0  }
0x38: {  	[sflag:s29] =	ssyncadd.s32 $0xFFFFD800  }
0x39: {  	[spmem:s19] =	stream.linear.scatter [tilespmem:s28], [sflag:$0x2], $0x2800, $0x38;
	[tilespmem:$0x1D980] =	vst v63  }
0x3a: {  	_ =	swait.ge [sflag:s29], $0x2800  }
0x3b: {  	[sflag:s29] =	ssyncset.done $0x0  }
0x3c: {  	[sflag:s29] =	ssyncadd.s32 $0xFFFFD800  }
0x3d: {  	[spmem:s20] =	stream.linear.scatter [tilespmem:s28], [sflag:$0x2], $0x2800, $0x38;
	[tilespmem:$0x1D980] =	vst v63  }
0x3e: {  	_ =	swait.ge [sflag:s29], $0x2800  }
0x3f: {  	[sflag:s29] =	ssyncset.done $0x0  }
0x40: {  	[sflag:s29] =	ssyncadd.s32 $0xFFFFD800  }
0x41: {  	[spmem:s21] =	stream.linear.scatter [tilespmem:s28], [sflag:$0x2], $0x2800, $0x38;
	[tilespmem:$0x1D980] =	vst v63  }
0x42: {  	_ =	swait.ge [sflag:s29], $0x2800  }
0x43: {  	[sflag:s29] =	ssyncset.done $0x0  }
0x44: {  	[sflag:s29] =	ssyncadd.s32 $0xFFFFD800  }
0x45: {  	[spmem:s22] =	stream.linear.scatter [tilespmem:s28], [sflag:$0x2], $0x2800, $0x38;
	[tilespmem:$0x1D980] =	vst v63  }
0x46: {  	_ =	swait.ge [sflag:s29], $0x2800  }
0x47: {  	[sflag:s29] =	ssyncset.done $0x0  }
0x48: {  	[sflag:s29] =	ssyncadd.s32 $0xFFFFD800  }
0x49: {  	[spmem:s23] =	stream.linear.scatter [tilespmem:s28], [sflag:$0x2], $0x2800, $0x38;
	[tilespmem:$0x1D980] =	vst v63  }
0x4a: {  	_ =	swait.ge [sflag:s29], $0x2800  }
0x4b: {  	[sflag:s29] =	ssyncset.done $0x0  }
0x4c: {  	[sflag:s29] =	ssyncadd.s32 $0xFFFFD800  }
0x4d: {  	[spmem:s24] =	stream.linear.scatter [tilespmem:s28], [sflag:$0x2], $0x2800, $0x38;
	[tilespmem:$0x1D980] =	vst v63  }
0x4e: {  	_ =	swait.ge [sflag:s29], $0x2800  }
0x4f: {  	[sflag:s29] =	ssyncset.done $0x0  }
0x50: {  	s9 =	simm.s32 @!p0 $0x7900;
	[sflag:s29] =	ssyncadd.s32 $0xFFFFD800  }
0x51: {  	[spmem:s25] =	stream.linear.scatter @!p0 [tilespmem:s9], [sflag:$0x2], $0x2800, $0x38;
	[tilespmem:$0x1D980] =	vst v63  }
0x52: {  	s9 =	simm.s32 @!p0 $0x2  }
0x53: {  	_ =	swait.ge @!p0 [sflag:s9], $0x2800  }
0x54: {  	[sflag:s9] =	ssyncset.done @!p0 $0x0  }
0x55: {  	[sflag:s9] =	ssyncadd.s32 @!p0 $0xFFFFD800  }
0x56: {  	s10 =	simm.s32 $0x0;
	s9 =	simm.s32 $0x0;
	[bflag:$0x0] =	sbarrier.arrive $0xFFFF  }
.LBB2_4:
0x57: {  	s11 =	smul.u32 $0x50, s10;
	_ =	sdelay $0x1  }
0x58: {  	s11 =	sadd.s32 s5, s11  }
0x59: {  	s12 =	sshrl.u32 s11, $0x3  }
0x5a: {  	s13 =	sadd.s32 s6, s12  }
0x5b: {  	[tilespmem:s9], [sflag:$0x2] =	stream.linear.gather [hbm4b:s13+s9], $0x50, $0x38;
	[tilespmem:$0x1D980] =	vst v63  }
0x5c: {  	_ =	swait.ge [sflag:s29], $0x50  }
0x5d: {  	[sflag:s29] =	ssyncset.done $0x0  }
0x5e: {  	s12 =	sadd.s32 s15, s12;
	[sflag:s29] =	ssyncadd.s32 $0xFFFFFFB0  }
0x5f: {  	[tilespmem:s30], [sflag:$0x2] =	stream.linear.gather [hbm4b:s12+s9], $0x50, $0x38;
	[tilespmem:$0x1D980] =	vst v63  }
0x60: {  	_ =	swait.ge [sflag:s29], $0x50  }
0x61: {  	[sflag:s29] =	ssyncset.done $0x0  }
0x62: {  	s11 =	sshll.u32 s11, $0x4;
	[sflag:s29] =	ssyncadd.s32 $0xFFFFFFB0  }
0x63: {  	[tilespmem:s2], [sflag:$0x1] =	stream.indirect.gather [hbm4b:s1+s31], $0x80, s9, s31, $0xb8;
	[tilespmem:$0x1D980] =	vst v63  }
0x64: {  	s13 =	sadd.s32 s16, s11  }
0x65: {  	[tilespmem:s0], [sflag:$0x2] =	stream.linear.gather [hbm4b:s13+s9], $0x2800, $0x38;
	[tilespmem:$0x1D980] =	vst v63  }
0x66: {  	_ =	swait.ge [sflag:s29], $0x2800  }
0x67: {  	[sflag:s29] =	ssyncset.done $0x0  }
0x68: {  	s11 =	sadd.s32 s17, s11;
	[sflag:s29] =	ssyncadd.s32 $0xFFFFD800  }
0x69: {  	[tilespmem:s7], [sflag:$0x2] =	stream.linear.gather [hbm4b:s11+s9], $0x2800, $0x38;
	[tilespmem:$0x1D980] =	vst v63  }
0x6a: {  	_ =	swait.ge [sflag:s29], $0x2800  }
0x6b: {  	[sflag:s29] =	ssyncset.done $0x0  }
0x6c: {  	[sflag:s29] =	ssyncadd.s32 $0xFFFFD800  }
0x6d: {  	_ =	swait.ge [sflag:s8], $0x2800  }
0x6e: {  	[sflag:s8] =	ssyncset.done $0x0  }
0x6f: {  	s12 =	simm.s32 $0x0;
	[sflag:s8] =	ssyncadd.s32 $0xFFFFD800  }
0x70: {  	v1 =	vld [tilespmem:s12+$0x2900]  }
0x71: {  	v3 =	vld [tilespmem:s12+$0x170]  }
0x72: {  	v5 =	vld [tilespmem:s12+$0x100]  }
0x73: {  	v2 =	vld [tilespmem:s12+$0x5100]  }
0x74: {  	v8 =	vld [tilespmem:s12+$0x110]  }
0x75: {  	v11 =	vld [tilespmem:s12+$0x120]  }
0x76: {  	v6 =	vld [tilespmem:s12+$0x130];
	v3 =	vmul.f32 v3, v1  }
0x77: {  	v7 =	vld [tilespmem:s12+$0x140];
	v9 =	vmul.f32 v5, v1  }
0x78: {  	v4 =	vld [tilespmem:s12+$0x150];
	v12 =	vadd.f32 v3, v2  }
0x79: {  	s11 =	simm.s32 $0x80;
	v5 =	vld [tilespmem:s12+$0x160];
	v10 =	vmul.f32 v8, v1;
	v9 =	vadd.f32 v9, v2  }
0x7a: {  	s13 =	simm.s32 $0x400;
	v8 =	vmul.f32 v11, v1;
	v3 =	vld [tilespmem:s11+$0x2900];
	[tilespmem:s12+$0x7970] =	vst v12  }
.LBB2_5:
0x7b: {  	p1 =	sne.s32 s13, $0x9E00;
	v11 =	vld [tilespmem:s11+$0x170];
	[tilespmem:s12+$0x7900] =	vst v9;
	v9 =	vadd.f32 v10, v2;
	v6 =	vmul.f32 v6, v1  }
0x7c: {  	v10 =	vld [tilespmem:s11+$0x100];
	v8 =	vadd.f32 v8, v2;
	v7 =	vmul.f32 v7, v1  }
0x7d: {  	v12 =	vld [tilespmem:s11+$0x5100];
	[tilespmem:s12+$0x7910] =	vst v9;
	v6 =	vadd.f32 v6, v2;
	v4 =	vmul.f32 v4, v1  }
0x7e: {  	v13 =	vld [tilespmem:s11+$0x110];
	[tilespmem:s12+$0x7920] =	vst v8;
	v7 =	vadd.f32 v7, v2;
	v5 =	vmul.f32 v5, v1  }
0x7f: {  	v8 =	vld [tilespmem:s11+$0x120];
	[tilespmem:s12+$0x7930] =	vst v6;
	v4 =	vadd.f32 v4, v2;
	v1 =	vmov v3  }
.Ltmp1:
0x80: {  	v6 =	vld [tilespmem:s11+$0x130];
	v3 =	vmul.f32 v11, v1;
	[tilespmem:s12+$0x7940] =	vst v7;
	v9 =	vadd.f32 v5, v2;
	(pc) =	sbr.rel @p1 .LBB2_5-.Ltmp1, $4  }
0x81: {  	v5 =	vmul.f32 v10, v1;
	v7 =	vld [tilespmem:s11+$0x140];
	[tilespmem:s12+$0x7950] =	vst v4  }
0x82: {  	v4 =	vld [tilespmem:s11+$0x150];
	v11 =	vadd.f32 v3, v12;
	[tilespmem:s12+$0x7960] =	vst v9;
	v2 =	vmov v12;
	s12 =	smov.u32 s11  }
0x83: {  	s11 =	sshra.s32 s13, $0x2;
	v9 =	vadd.f32 v5, v2;
	v10 =	vmul.f32 v13, v1;
	v5 =	vld [tilespmem:s12+$0x160]  }
0x84: {  	s13 =	sadd.s32 $0x200, s13;
	v3 =	vld [tilespmem:s11+$0x2900];
	v8 =	vmul.f32 v8, v1;
	[tilespmem:s12+$0x7970] =	vst v11  }
0x85: {  	v11 =	vld [tilespmem:s11+$0x170];
	[tilespmem:s12+$0x7900] =	vst v9;
	v57 =	vadd.f32 v10, v2;
	v6 =	vmul.f32 v6, v1  }
0x86: {  	v58 =	vld [tilespmem:s11+$0x100];
	v8 =	vadd.f32 v8, v2;
	v7 =	vmul.f32 v7, v1  }
0x87: {  	v12 =	vld [tilespmem:s11+$0x5100];
	[tilespmem:s12+$0x7910] =	vst v57;
	v6 =	vadd.f32 v6, v2;
	v4 =	vmul.f32 v4, v1  }
0x88: {  	v9 =	vld [tilespmem:s11+$0x110];
	[tilespmem:s12+$0x7920] =	vst v8;
	v7 =	vadd.f32 v7, v2;
	v1 =	vmul.f32 v5, v1  }
0x89: {  	v8 =	vld [tilespmem:s11+$0x120];
	[tilespmem:s12+$0x7930] =	vst v6;
	v4 =	vadd.f32 v4, v2  }
0x8a: {  	v6 =	vld [tilespmem:s11+$0x130];
	[tilespmem:s12+$0x7940] =	vst v7;
	v1 =	vadd.f32 v1, v2  }
0x8b: {  	v2 =	vmul.f32 v11, v3;
	v59 =	vld [tilespmem:s11+$0x140];
	[tilespmem:s12+$0x7950] =	vst v4  }
0x8c: {  	v60 =	vmul.f32 v58, v3;
	v4 =	vld [tilespmem:s11+$0x150];
	[tilespmem:s12+$0x7960] =	vst v1  }
0x8d: {  	v1 =	vadd.f32 v2, v12;
	v2 =	vmul.f32 v9, v3;
	v61 =	vld [tilespmem:s11+$0x160]  }
0x8e: {  	v7 =	vadd.f32 v60, v12;
	v8 =	vmul.f32 v8, v3  }
0x8f: {  	[tilespmem:s11+$0x7970] =	vst v1;
	v1 =	vadd.f32 v2, v12;
	v2 =	vmul.f32 v6, v3  }
0x90: {  	[tilespmem:s11+$0x7900] =	vst v7;
	v62 =	vadd.f32 v8, v12;
	v5 =	vmul.f32 v59, v3  }
0x91: {  	[tilespmem:s11+$0x7910] =	vst v1;
	v1 =	vadd.f32 v2, v12;
	v2 =	vmul.f32 v4, v3  }
0x92: {  	[tilespmem:s11+$0x7920] =	vst v62;
	v63 =	vadd.f32 v5, v12;
	v3 =	vmul.f32 v61, v3  }
0x93: {  	[tilespmem:s11+$0x7930] =	vst v1;
	v1 =	vadd.f32 v2, v12  }
0x94: {  	s10 =	sadd.s32 $0x1, s10;
	[tilespmem:s11+$0x7940] =	vst v63;
	v2 =	vadd.f32 v3, v12  }
0x95: {  	p1 =	sne.s32 s10, $0x7D;
	[tilespmem:s11+$0x7950] =	vst v1  }
.Ltmp2:
0x96: {  	[tilespmem:s11+$0x7960] =	vst v2;
	(pc) =	sbr.rel @p1 .LBB2_4-.Ltmp2, $4  }
0x97: {  	[spmem:s3] =	stream.indirect.scatter.add.f32 [tilespmem:s28], [sflag:$0x2], $0x80, s30, s31, $0xb8;
	[tilespmem:$0x1D980] =	vst v63  }
0x98: {  	_ =	swait.ge [sflag:s29], $0x2800  }
0x99: {  	[sflag:s29] =	ssyncset.done $0x0  }
0x9a: {  	[sflag:s29] =	ssyncadd.s32 $0xFFFFD800  }
0x9b: {  	s9 =	stileid.u32  }
0x9c: {  	[bflag:$0x0] =	sbarrier.arrive $0xFFFF;
	s9 =	sshll.u32 s9, $0x6  }
0x9d: {  	s10 =	sshrl.u32 s18, $0x3;
	s11 =	rddreg [dreg:$0x4];
	s9 =	sor.u32 $0x1C02, s9  }
0x9e: {  	[hbm:s11], [sflag:s9] =	dma.local [spmem:s10], $0x500  }
0x9f: {  	_ =	swait.ge [sflag:s29], $0x500  }
0xa0: {  	[sflag:s29] =	ssyncset.done $0x0  }
0xa1: {  	s12 =	sshrl.u32 s19, $0x3;
	s13 =	rddreg [dreg:$0x5];
	[sflag:s29] =	ssyncadd.s32 $0xFFFFFB00  }
0xa2: {  	[hbm:s13], [sflag:s9] =	dma.local [spmem:s12], $0x500  }
0xa3: {  	_ =	swait.ge [sflag:s29], $0x500  }
0xa4: {  	[sflag:s29] =	ssyncset.done $0x0  }
0xa5: {  	s12 =	sshrl.u32 s20, $0x3;
	s13 =	rddreg [dreg:$0x6];
	[sflag:s29] =	ssyncadd.s32 $0xFFFFFB00  }
0xa6: {  	[hbm:s13], [sflag:s9] =	dma.local [spmem:s12], $0x500  }
0xa7: {  	_ =	swait.ge [sflag:s29], $0x500  }
0xa8: {  	[sflag:s29] =	ssyncset.done $0x0  }
0xa9: {  	s12 =	sshrl.u32 s21, $0x3;
	s13 =	rddreg [dreg:$0x7];
	[sflag:s29] =	ssyncadd.s32 $0xFFFFFB00  }
0xaa: {  	[hbm:s13], [sflag:s9] =	dma.local [spmem:s12], $0x500  }
0xab: {  	_ =	swait.ge [sflag:s29], $0x500  }
0xac: {  	[sflag:s29] =	ssyncset.done $0x0  }
0xad: {  	s12 =	sshrl.u32 s22, $0x3;
	s13 =	rddreg [dreg:$0x8];
	[sflag:s29] =	ssyncadd.s32 $0xFFFFFB00  }
0xae: {  	[hbm:s13], [sflag:s9] =	dma.local [spmem:s12], $0x500  }
0xaf: {  	_ =	swait.ge [sflag:s29], $0x500  }
0xb0: {  	[sflag:s29] =	ssyncset.done $0x0  }
0xb1: {  	s12 =	sshrl.u32 s23, $0x3;
	s13 =	rddreg [dreg:$0x9];
	[sflag:s29] =	ssyncadd.s32 $0xFFFFFB00  }
0xb2: {  	[hbm:s13], [sflag:s9] =	dma.local [spmem:s12], $0x500  }
0xb3: {  	_ =	swait.ge [sflag:s29], $0x500  }
0xb4: {  	[sflag:s29] =	ssyncset.done $0x0  }
0xb5: {  	s12 =	sshrl.u32 s24, $0x3;
	s13 =	rddreg [dreg:$0xa];
	[sflag:s29] =	ssyncadd.s32 $0xFFFFFB00  }
0xb6: {  	[hbm:s13], [sflag:s9] =	dma.local [spmem:s12], $0x500  }
0xb7: {  	_ =	swait.ge [sflag:s29], $0x500  }
0xb8: {  	s4 =	sadd.s32 $0x1, s4;
	[sflag:s29] =	ssyncset.done $0x0  }
0xb9: {  	p1 =	sne.s32 s4, s26;
	s10 =	sshrl.u32 @!p0 s25, $0x3;
	[sflag:s29] =	ssyncadd.s32 $0xFFFFFB00  }
0xba: {  	[hbm:s14], [sflag:s9] =	dma.local @!p0 [spmem:s10], $0x500  }
.Ltmp3:
0xbb: {  	_ = 	snop;
	(pc) =	sbr.rel @p1 .LBB2_1-.Ltmp3, $4  }
0xbc: {  	s9 =	simm.s32 @!p0 $0x2  }
0xbd: {  	_ =	swait.ge @!p0 [sflag:s9], $0x500  }
0xbe: {  	[sflag:s9] =	ssyncset.done @!p0 $0x0  }
0xbf: {  	[sflag:s9] =	ssyncadd.s32 @!p0 $0xFFFFFB00  }
0xc0: {  	_ =	sfence.sel $0x180000  }
0xc1: {  	[bflag:$0x0] =	sbarrier.arrive $0xFFFF  }
0xc2: {  	_ =	strace $0x9000004A  }
0xc3: {  	s0 =	stileid.u32;
	[bflag:$0x2] =	sbarrier.arrive $0xFFFF  }
0xc4: {  	p0 =	sne.s32 s0, $0x0;
	s0 =	rddreg [dreg:$0x3]  }
0xc5: {  	s0 =	sadd.s32 @!p0 $0x100000, s0  }
0xc6: {  	[sflag:s0] =	ssyncadd.tile.s32 @!p0 $0x1;
	_ =	shalt  }
.Lfunc_end2:
_tile_overlayer_lowered:
.L_overlay_start_2:
0xc7: {  	(tag) =	ssettag $0x2  }
0xc8: {  	s0 =	rddreg [dreg:$0x0];
	s2 =	stileid.u32  }
0xc9: {  	s1 =	rddreg [dreg:$0x1];
	p0 =	sne.s32 s2, $0x0  }
0xca: {  	s3 =	rddreg [dreg:$0x2];
	[bflag:$0x3] =	sbarrier.arrive $0xFFFF;
	s2 =	simm.s32 @!p0 $0x1C02  }
0xcb: {  	[timem:s3], [sflag:s2] =	dma.local @!p0 [hbm:s0], s1  }
0xcc: {  	s0 =	simm.s32 @!p0 $0x2  }
0xcd: {  	_ =	swait.ge @!p0 [sflag:s0], s1  }
0xce: {  	s1 =	ssub.s32 @!p0 $0x0, s1;
	[sflag:s0] =	ssyncset.done @!p0 $0x0  }
0xcf: {  	[sflag:s0] =	ssyncadd.s32 @!p0 s1  }
0xd0: {  	[bflag:$0x3] =	sbarrier.arrive $0xFFFF  }
0xd1: {  	_ =	shalt  }

// kernel: kernel.7.cloned.1.call-start
scs
__scs_entry_jumppad:
0x0: {  	(pc) =	sbr.rel $0x88, $3  }
0x1: {  	(tag) =	ssettag $0x0;
	lr =	simm.s32 $0x1  }
0x2: {  	[smem:$0x3F90] =	sst lr;
	_ =	strace $0xD0000000  }
0x3: {  	_ = 	snop  }
0x4: {  	_ = 	snop  }
0x5: {  	_ = 	snop  }
0x6: {  	_ = 	snop  }
0x7: {  	_ = 	snop  }
__scs_overlays_trampoline_lowered:
0x8: {  	[smem:$0x3F9F] =	sst s0  }
0x9: {  	[smem:$0x3FA0] =	sst s1  }
0xa: {  	[smem:$0x3FA1] =	sst s2  }
0xb: {  	[smem:$0x3FA2] =	sst s3  }
0xc: {  	[smem:$0x3FA3] =	sst s4  }
0xd: {  	[smem:$0x3FA4] =	sst s5  }
0xe: {  	[smem:$0x3FA5] =	sst s6  }
0xf: {  	[smem:$0x3FA6] =	sst s7  }
0x10: {  	[smem:$0x3FA7] =	sst s8  }
0x11: {  	[smem:$0x3FA8] =	sst s9;
	s0 =	simm.s32 @!p0 $0x0  }
0x12: {  	s1 =	sld [smem:$0x3F8E];
	s0 =	simm.s32 @p0 $0x1  }
0x13: {  	[smem:$0x3FA9] =	sst s0;
	s0 =	simm.s32 @!p1 $0x0  }
0x14: {  	s2 =	sld [smem:$0x3F8D];
	s0 =	simm.s32 @p1 $0x1  }
0x15: {  	[smem:$0x3FAA] =	sst s0;
	s0 =	simm.s32 @!p2 $0x0  }
0x16: {  	s3 =	sld [smem:$0x3FDB];
	s0 =	simm.s32 @p2 $0x1  }
0x17: {  	s4 =	simm.s32 $0x1BF5;
	[smem:$0x3FAC] =	sst s0  }
0x18: {  	s0 =	sld [smem:$0x3F8F];
	_ =	swait.ge [sflag:s4], $0x0  }
0x19: {  	s7 =	sld [smem:$0x3F90]  }
0x1a: {  	s8 =	sadd.s32 $0xFFFFE003, lr  }
0x1b: {  	s9 =	sadd.s32 $0xFFFFFEF7, lr;
	s5 =	simm.s32 $0xFFFFFFFF;
	p2 =	slt.u32 s8, $0xFFFFF086  }
0x1c: {  	p1 =	slt.u32 s9, $0xF7A;
	s5 =	simm.s32 @!p2 $0x0  }
0x1d: {  	s5 =	simm.s32 @p1 $0x1;
	p0 =	seq.s32 s7, s2  }
0x1e: {  	s7 =	smul.u32 @!p0 $0xF7A, s2;
	p2 =	seq.s32 @!p0 s5, $0x0  }
0x1f: {  	s9 =	smul.u32 $0xF7A, s1;
	s8 =	simm.s32 @!p0 $0x1BF5;
	p2 =	por !p2, p0  }
0x20: {  	[sflag:s8] =	ssyncset.s32 @!p0 $0xFFFFF086;
	s6 =	sadd.s32 @!p0 s3, s7;
	s7 =	simm.s32 @!p0 $0x108  }
0x21: {  	s3 =	sadd.s32 s3, s9;
	s6 =	sadd.s32 @!p0 $0x88, s6;
	s7 =	simm.s32 @p2 $0x1082  }
0x22: {  	[simem:s7], [sflag:s8] =	dma.local @!p0 [hbm:s6], $0xF7A  }
0x23: {  	s9 =	sor.u32 $0xD0000000, s2;
	s6 =	simm.s32 $0x108;
	_ =	swait.ge @!p0 [sflag:s8], $0x0  }
0x24: {  	s3 =	sadd.s32 $0x88, s3;
	s6 =	simm.s32 @!p1 $0x1082;
	[sflag:s4] =	ssyncset.s32 $0xFFFFF086  }
0x25: {  	[simem:s6], [sflag:s4] =	dma.local [hbm:s3], $0xF7A  }
0x26: {  	[smem:$0x3F90] =	sst s1;
	(tag) =	ssettag s2;
	_ =	strace s9  }
0x27: {  	s1 =	sld [smem:$0x3FA0]  }
0x28: {  	s2 =	sld [smem:$0x3FA1]  }
0x29: {  	s4 =	sld [smem:$0x3FA3]  }
0x2a: {  	p0 =	seq.s32 s5, $0x0;
	s5 =	sld [smem:$0x3FA4]  }
0x2b: {  	s6 =	sld [smem:$0x3FA5]  }
0x2c: {  	s7 =	sld [smem:$0x3FA6]  }
0x2d: {  	s3 =	simm.s32 $0x108;
	s8 =	sld [smem:$0x3FA7]  }
0x2e: {  	s3 =	simm.s32 @!p0 $0x1082;
	s9 =	sld [smem:$0x3FA8]  }
0x2f: {  	lr =	sadd.s32 s0, s3;
	s0 =	sld [smem:$0x3F9F]  }
0x30: {  	s3 =	sld [smem:$0x3FA2]  }
0x31: {  	[smem:$0x3FAB] =	sst s10  }
0x32: {  	s10 =	sld [smem:$0x3FA9];
	_ =	sdelay $0x3  }
0x33: {  	p0 =	seq.s32 s10, $0x1;
	s10 =	sld [smem:$0x3FAB];
	_ =	sdelay $0x3  }
0x34: {  	[smem:$0x3FAB] =	sst s10  }
0x35: {  	s10 =	sld [smem:$0x3FAA];
	_ =	sdelay $0x3  }
0x36: {  	p1 =	seq.s32 s10, $0x1;
	s10 =	sld [smem:$0x3FAB];
	_ =	sdelay $0x3  }
0x37: {  	[smem:$0x3FAB] =	sst s10  }
0x38: {  	s10 =	sld [smem:$0x3FAC]  }
0x39: {  	_ = 	snop;
	(pc) =	sbr.ind lr, $3  }
0x3a: {  	_ = 	snop  }
0x3b: {  	_ = 	snop  }
0x3c: {  	p2 =	seq.s32 s10, $0x1;
	s10 =	sld [smem:$0x3FAB]  }
0x3d: {  	_ =	shalt  }
0x3e: {  	_ =	shalt  }
0x3f: {  	_ =	shalt  }
0x40: {  	_ =	shalt  }
0x41: {  	_ =	shalt  }
0x42: {  	_ =	shalt  }
0x43: {  	_ =	shalt  }
0x44: {  	_ =	shalt  }
0x45: {  	_ =	shalt  }
0x46: {  	_ =	shalt  }
0x47: {  	_ =	shalt  }
0x48: {  	_ =	shalt  }
0x49: {  	_ =	shalt  }
0x4a: {  	_ =	shalt  }
0x4b: {  	_ =	shalt  }
0x4c: {  	_ =	shalt  }
0x4d: {  	_ =	shalt  }
0x4e: {  	_ =	shalt  }
0x4f: {  	_ =	shalt  }
0x50: {  	_ =	shalt  }
0x51: {  	_ =	shalt  }
0x52: {  	_ =	shalt  }
0x53: {  	_ =	shalt  }
0x54: {  	_ =	shalt  }
0x55: {  	_ =	shalt  }
0x56: {  	_ =	shalt  }
0x57: {  	_ =	shalt  }
0x58: {  	_ =	shalt  }
0x59: {  	_ =	shalt  }
0x5a: {  	_ =	shalt  }
0x5b: {  	_ =	shalt  }
0x5c: {  	_ =	shalt  }
0x5d: {  	_ =	shalt  }
0x5e: {  	_ =	shalt  }
0x5f: {  	_ =	shalt  }
0x60: {  	_ =	shalt  }
0x61: {  	_ =	shalt  }
0x62: {  	_ =	shalt  }
0x63: {  	_ =	shalt  }
0x64: {  	_ =	shalt  }
0x65: {  	_ =	shalt  }
0x66: {  	_ =	shalt  }
0x67: {  	_ =	shalt  }
0x68: {  	_ =	shalt  }
0x69: {  	_ =	shalt  }
0x6a: {  	_ =	shalt  }
0x6b: {  	_ =	shalt  }
0x6c: {  	_ =	shalt  }
0x6d: {  	_ =	shalt  }
0x6e: {  	_ =	shalt  }
0x6f: {  	_ =	shalt  }
0x70: {  	_ =	shalt  }
0x71: {  	_ =	shalt  }
0x72: {  	_ =	shalt  }
0x73: {  	_ =	shalt  }
0x74: {  	_ =	shalt  }
0x75: {  	_ =	shalt  }
0x76: {  	_ =	shalt  }
0x77: {  	_ =	shalt  }
0x78: {  	_ =	shalt  }
0x79: {  	_ =	shalt  }
0x7a: {  	_ =	shalt  }
0x7b: {  	_ =	shalt  }
0x7c: {  	_ =	shalt  }
0x7d: {  	_ =	shalt  }
0x7e: {  	_ =	shalt  }
0x7f: {  	_ =	shalt  }
0x80: {  	_ =	shalt  }
0x81: {  	_ =	shalt  }
0x82: {  	_ =	shalt  }
0x83: {  	_ =	shalt  }
0x84: {  	_ =	shalt  }
0x85: {  	_ =	shalt  }
0x86: {  	_ =	shalt  }
0x87: {  	_ =	shalt  }
.Lfunc_end0:
.L_simem_size_0:
called_computation_lowered:
.L_overlay_start_0:
0x88: {  	s2 =	sld [smem:$0x3FD9]  }
0x89: {  	s3 =	sld [smem:$0x3FFE];
	_ =	sdelay $0x1  }
0x8a: {  	s1 =	srdreg.scid  }
0x8b: {  	s0 =	sand.u32 $0x1, s1  }
0x8c: {  	s16 =	sshll.u32 s0, $0xA;
	s2 =	sadd.s32 s3, s2  }
0x8d: {  	s2 =	sadd.s32 s2, s16  }
0x8e: {  	[smem:$0x3FB7] =	sst s2  }
0x8f: {  	_ = 	snop  }
0x90: {  	(tm) =	ssettm $0x1  }
0x91: {  	s17 =	sld [smem:$0x3FFB];
	_ =	sdelay $0x3  }
0x92: {  	_ =	strace s17  }
0x93: {  	s2 =	sld [smem:$0x3FFC];
	_ =	sdelay $0x3  }
0x94: {  	_ =	strace s2  }
0x95: {  	s2 =	sld [smem:$0x3FFD];
	_ =	sdelay $0x3  }
0x96: {  	_ =	strace s2  }
0x97: {  	_ =	strace $0x8FFFFFFF  }
0x98: {  	s18 =	sld [smem:$0x3FDB];
	_ =	sdelay $0x1  }
0x99: {  	s19 =	simm.s32 $_scs_section_size  }
0x9a: {  	s4 =	simm.s32 $_size__tile_overlayer_lowered;
	s5 =	simm.s32 $_tile_overlayer_lowered  }
0x9b: {  	s22 =	simm.s32 $0x1BFF;
	s21 =	sshll.u32 s5, $0x1;
	s2 =	sadd.s32 s19, s18  }
0x9c: {  	s6 =	simm.s32 $0x0;
	s20 =	sshll.u32 s4, $0x1;
	s4 =	sadd.s32 s21, s2  }
0x9d: {  	[timem:s6], [sflag:s22] =	dma.local [hbm:s4], s20  }
0x9e: {  	_ =	swait.ge [sflag:s22], s20  }
0x9f: {  	s3 =	ssub.s32 $0x0, s20;
	[sflag:s22] =	ssyncset.done $0x0  }
0xa0: {  	[sflag:s22] =	ssyncadd.s32 s3;
	_ =	sdelay $0x1  }
0xa1: {  	s23 =	simm.s32 $0x1B8B  }
0xa2: {  	_ =	swait.ge [sflag:s23], $0x1  }
0xa3: {  	[sflag:s23] =	ssyncset.done $0x0  }
0xa4: {  	s25 =	simm.s32 $0x1B8E;
	s24 =	sld [smem:$0x3FFE];
	[sflag:s23] =	ssyncadd.s32 $0xFFFFFFFF  }
0xa5: {  	s26 =	simm.s32 $execute0_lowered;
	[smem:$0x3FD2] =	sst s25  }
0xa6: {  	s4 =	sshll.u32 s26, $0x1;
	_ =	strace $0x80000046;
	[dreg:$0x1] =	wrdreg $0xFFFFFFFF  }
0xa7: {  	s28 =	simm.s32 $_size_execute0_lowered;
	s2 =	sadd.s32 s2, s4;
	[dreg:$0x0] =	wrdreg $0x0  }
0xa8: {  	s4 =	sshll.u32 s28, $0x1;
	[dreg:$0x2] =	wrdreg s2  }
0xa9: {  	[dreg:$0x3] =	wrdreg s4  }
0xaa: {  	[dreg:$0x4] =	wrdreg $0xC0  }
0xab: {  	_ =	task [dreg:s6], $0x5FFFF  }
0xac: {  	[dreg:$0x1] =	wrdreg $0xFFFFFFFF  }
0xad: {  	[dreg:$0x0] =	wrdreg $0x60  }
0xae: {  	[dreg:$0x2] =	wrdreg s24  }
0xaf: {  	[dreg:$0x3] =	wrdreg $0x9  }
0xb0: {  	_ =	task.clear_ibuf [dreg:s6], $0x4FFFF;
	_ =	strace $0x90000046  }
0xb1: {  	s29 =	simm.s32 $0x9;
	_ =	strace $0x80000048  }
0xb2: {  	_ =	swait.ge [sflag:s29], $0x1  }
0xb3: {  	[sflag:s29] =	ssyncadd.s32 $0xFFFFFFFF  }
0xb4: {  	_ =	strace $0x90000048  }
0xb5: {  	_ =	sfence  }
0xb6: {  	s30 =	sld [smem:$0x0];
	_ =	sdelay $0x2  }
0xb7: {  	s31 =	sshll.u32 s1, $0xD;
	s1 =	sshrl.u32 s1, $0x2  }
0xb8: {  	s3 =	sand.u32 $0x4000, s31;
	s1 =	sadd.s32 s1, s30  }
0xb9: {  	s0 =	sor.u32 s3, s0;
	s1 =	sshll.u32 s1, $0x11  }
0xba: {  	s0 =	sor.u32 s1, s0  }
0xbb: {  	s0 =	sadd.s32 $0x8F2B, s0  }
0xbc: {  	[sflag:s0] =	ssyncadd.remote.s32 $0x1  }
0xbd: {  	_ =	sfence.sel $0xFFFF  }
0xbe: {  	[dreg:$0x0] =	wrdreg $0xFFFFFFFF;
	(pc) =	sbr.abs _section_cstart, $3  }
0xbf: {  	[dreg:$0x1] =	wrdreg $0xFFFFFFFF  }
0xc0: {  	_ =	task.clear_ibuf [dreg:s6], $0x2FFFF;
	_ =	strace $0x9FFFFFFF  }
0xc1: {  	(tm) =	ssettm $0x7FFFFFFF  }
tec
execute0_lowered:
.L_overlay_start_1:
0x0: {  	(tag) =	ssettag $0x1  }
0x1: {  	s7 =	rddreg [dreg:$0x0]  }
0x2: {  	s0 =	rddreg [dreg:$0x1];
	s1 =	simm.s32 $0x0  }
0x3: {  	s2 =	srdreg.scid;
	s12 =	simm.s32 $0x50;
	s13 =	simm.s32 $0x100  }
0x4: {  	s14 =	simm.s32 $0x2900;
	s15 =	simm.s32 $0x1;
	s16 =	simm.s32 $0x2  }
0x5: {  	s17 =	simm.s32 $0x5100;
	s18 =	simm.s32 $0x3;
	s19 =	simm.s32 $0x0  }
0x6: {  	[smem:$0x7FF] =	sst s1;
	s3 =	sadd.s32 $0x15A00, s7;
	s4 =	sadd.s32 $0x3CC00, s7  }
0x7: {  	s8 =	sand.u32 $0x1, s2;
	s5 =	sadd.s32 $0xBC00, s7;
	s2 =	stileid.u32  }
0x8: {  	s6 =	sadd.s32 $0x1E00, s7;
	s7 =	sadd.s32 $0x63E00, s7;
	s9 =	ssub.s32 $0x2, s8  }
0x9: {  	_ =	strace $0x80000047;
	s11 =	sshll.u32 s2, $0x1;
	s10 =	sshrl.u32 s9, $0x1  }
0xa: {  	s8 =	sor.u32 s8, s11;
	s11 =	simm.s32 $0x80;
	s9 =	ssub.s32 s9, s10  }
0xb: {  	s8 =	smul.u32 $0x2710, s8;
	s10 =	simm.s32 $0x4;
	s9 =	smax.u32 s9, $0x1  }
.LBB2_1:
0xc: {  	s20 =	simm.s32 $0x0  }
.LBB2_2:
0xd: {  	s21 =	smul.u32 $0x50, s20;
	_ =	sdelay $0x1  }
0xe: {  	s21 =	sadd.s32 s8, s21  }
0xf: {  	s22 =	sshrl.u32 s21, $0x3  }
0x10: {  	s24 =	simm.s32 $0x0;
	s23 =	sadd.s32 s5, s22  }
0x11: {  	[tilespmem:s24], [sflag:$0x4] =	stream.linear.gather [hbm4b:s23+s24], $0x50, $0x38;
	[tilespmem:$0x7900] =	vst v63  }
0x12: {  	_ =	swait.ge [sflag:s10], $0x50  }
0x13: {  	[sflag:s10] =	ssyncset.done $0x0  }
0x14: {  	s22 =	sadd.s32 s6, s22;
	[sflag:s10] =	ssyncadd.s32 $0xFFFFFFB0  }
0x15: {  	[tilespmem:s11], [sflag:$0x4] =	stream.linear.gather [hbm4b:s22+s24], $0x50, $0x38;
	[tilespmem:$0x7900] =	vst v63  }
0x16: {  	_ =	swait.ge [sflag:s10], $0x50  }
0x17: {  	[sflag:s10] =	ssyncset.done $0x0  }
0x18: {  	[sflag:s10] =	ssyncadd.s32 $0xFFFFFFB0  }
0x19: {  	[tilespmem:s13], [sflag:$0x1] =	stream.indirect.gather [hbm4b:s3+s12], $0x80, s24, s12, $0xb8;
	[tilespmem:$0x7900] =	vst v63  }
0x1a: {  	_ = 	snop  }
0x1b: {  	[tilespmem:s14], [sflag:$0x2] =	stream.indirect.gather [hbm4b:s4+s12], $0x80, s11, s12, $0xb8;
	[tilespmem:$0x7900] =	vst v63  }
0x1c: {  	_ =	swait.ge [sflag:s15], $0x2800  }
0x1d: {  	[sflag:s15] =	ssyncset.done $0x0  }
0x1e: {  	[sflag:s15] =	ssyncadd.s32 $0xFFFFD800  }
0x1f: {  	_ =	swait.ge [sflag:s16], $0x2800  }
0x20: {  	[sflag:s16] =	ssyncset.done $0x0  }
0x21: {  	s22 =	simm.s32 $0x0;
	[sflag:s16] =	ssyncadd.s32 $0xFFFFD800  }
0x22: {  	v0 =	vld [tilespmem:s22+$0x170]  }
0x23: {  	v1 =	vld [tilespmem:s22+$0x2970]  }
0x24: {  	v2 =	vld [tilespmem:s22+$0x100]  }
0x25: {  	v3 =	vld [tilespmem:s22+$0x2900]  }
0x26: {  	v4 =	vld [tilespmem:s22+$0x110]  }
0x27: {  	v5 =	vld [tilespmem:s22+$0x2910]  }
0x28: {  	v6 =	vld [tilespmem:s22+$0x120]  }
0x29: {  	v7 =	vld [tilespmem:s22+$0x130]  }
0x2a: {  	v0 =	vsub.f32 v0, v1;
	v1 =	vld [tilespmem:s22+$0x2920]  }
0x2b: {  	v8 =	vld [tilespmem:s22+$0x2930]  }
0x2c: {  	v9 =	vld [tilespmem:s22+$0x2940];
	v2 =	vsub.f32 v2, v3  }
0x2d: {  	[tilespmem:s22+$0x5170] =	vst v0;
	v0 =	vsub.f32 v4, v5;
	v5 =	vld [tilespmem:s22+$0x140]  }
0x2e: {  	v3 =	vld [tilespmem:s22+$0x2950];
	[tilespmem:s22+$0x5100] =	vst v2  }
0x2f: {  	v2 =	vld [tilespmem:s22+$0x150];
	[tilespmem:s22+$0x5110] =	vst v0;
	v0 =	vsub.f32 v6, v1  }
0x30: {  	v4 =	vld [tilespmem:s22+$0x2960];
	v6 =	vsub.f32 v7, v8  }
0x31: {  	s23 =	simm.s32 $0x80;
	[tilespmem:s22+$0x5120] =	vst v0;
	v0 =	vld [tilespmem:s22+$0x160]  }
0x32: {  	s24 =	simm.s32 $0x400;
	v5 =	vsub.f32 v5, v9;
	v1 =	vld [tilespmem:s23+$0x170];
	[tilespmem:s22+$0x5130] =	vst v6  }
.LBB2_3:
0x33: {  	p0 =	sne.s32 s24, $0x9E00;
	v6 =	vld [tilespmem:s23+$0x2970]  }
0x34: {  	v7 =	vld [tilespmem:s23+$0x100];
	[tilespmem:s22+$0x5140] =	vst v5;
	v2 =	vsub.f32 v2, v3  }
0x35: {  	v3 =	vld [tilespmem:s23+$0x2900]  }
0x36: {  	v5 =	vld [tilespmem:s23+$0x110];
	[tilespmem:s22+$0x5150] =	vst v2;
	v0 =	vsub.f32 v0, v4  }
0x37: {  	v2 =	vld [tilespmem:s23+$0x2910]  }
0x38: {  	v4 =	vld [tilespmem:s23+$0x120];
	v1 =	vsub.f32 v1, v6;
	[tilespmem:s22+$0x5160] =	vst v0;
	s22 =	smov.u32 s23  }
0x39: {  	v0 =	vld [tilespmem:s22+$0x2920]  }
0x3a: {  	v3 =	vsub.f32 v7, v3;
	v6 =	vld [tilespmem:s22+$0x130];
	[tilespmem:s22+$0x5170] =	vst v1  }
0x3b: {  	v1 =	vld [tilespmem:s22+$0x2930]  }
0x3c: {  	[tilespmem:s22+$0x5100] =	vst v3;
	v2 =	vsub.f32 v5, v2;
	v5 =	vld [tilespmem:s22+$0x140]  }
0x3d: {  	v7 =	vld [tilespmem:s22+$0x2940]  }
.Ltmp0:
0x3e: {  	[tilespmem:s22+$0x5110] =	vst v2;
	v0 =	vsub.f32 v4, v0;
	v2 =	vld [tilespmem:s22+$0x150];
	(pc) =	sbr.rel @p0 .LBB2_3-.Ltmp0, $4  }
0x3f: {  	v3 =	vld [tilespmem:s22+$0x2950]  }
0x40: {  	[tilespmem:s22+$0x5120] =	vst v0;
	v6 =	vsub.f32 v6, v1;
	v0 =	vld [tilespmem:s22+$0x160]  }
0x41: {  	s23 =	sshra.s32 s24, $0x2;
	v4 =	vld [tilespmem:s22+$0x2960]  }
0x42: {  	s24 =	sadd.s32 $0x200, s24;
	v1 =	vld [tilespmem:s23+$0x170];
	[tilespmem:s22+$0x5130] =	vst v6;
	v5 =	vsub.f32 v5, v7  }
0x43: {  	v6 =	vld [tilespmem:s23+$0x2970]  }
0x44: {  	v7 =	vld [tilespmem:s23+$0x100];
	[tilespmem:s22+$0x5140] =	vst v5;
	v2 =	vsub.f32 v2, v3  }
0x45: {  	v51 =	vld [tilespmem:s23+$0x2900]  }
0x46: {  	v5 =	vld [tilespmem:s23+$0x110];
	[tilespmem:s22+$0x5150] =	vst v2;
	v0 =	vsub.f32 v0, v4  }
0x47: {  	v2 =	vld [tilespmem:s23+$0x2910]  }
0x48: {  	v52 =	vld [tilespmem:s23+$0x120];
	[tilespmem:s22+$0x5160] =	vst v0  }
0x49: {  	v54 =	vld [tilespmem:s23+$0x2920]  }
0x4a: {  	v55 =	vld [tilespmem:s23+$0x130]  }
0x4b: {  	v56 =	vld [tilespmem:s23+$0x2930]  }
0x4c: {  	v57 =	vld [tilespmem:s23+$0x140]  }
0x4d: {  	v58 =	vld [tilespmem:s23+$0x2940]  }
0x4e: {  	v59 =	vld [tilespmem:s23+$0x150]  }
0x4f: {  	v53 =	vsub.f32 v1, v6;
	v60 =	vld [tilespmem:s23+$0x2950]  }
0x50: {  	v61 =	vld [tilespmem:s23+$0x160];
	v3 =	vsub.f32 v7, v51  }
0x51: {  	v62 =	vld [tilespmem:s23+$0x2960];
	[tilespmem:s23+$0x5170] =	vst v53;
	v2 =	vsub.f32 v5, v2  }
0x52: {  	[tilespmem:s23+$0x5100] =	vst v3;
	v1 =	vsub.f32 v52, v54  }
0x53: {  	[tilespmem:s23+$0x5110] =	vst v2;
	v0 =	vsub.f32 v55, v56  }
0x54: {  	v3 =	vsub.f32 v57, v58;
	[tilespmem:s23+$0x5120] =	vst v1  }
0x55: {  	v63 =	vsub.f32 v59, v60;
	[tilespmem:s23+$0x5130] =	vst v0  }
0x56: {  	s20 =	sadd.s32 $0x1, s20;
	[tilespmem:s23+$0x5140] =	vst v3;
	v1 =	vsub.f32 v61, v62  }
0x57: {  	s21 =	sshll.u32 s21, $0x4;
	p0 =	sne.s32 s20, $0x7D;
	[tilespmem:s23+$0x5150] =	vst v63  }
.Ltmp1:
0x58: {  	s21 =	sadd.s32 s7, s21;
	[tilespmem:s23+$0x5160] =	vst v1;
	(pc) =	sbr.rel @p0 .LBB2_2-.Ltmp1, $4  }
0x59: {  	[hbm4b:s21+s1] =	stream.linear.scatter [tilespmem:s17], [sflag:$0x3], $0x2800, $0x38;
	[tilespmem:$0x7900] =	vst v63  }
0x5a: {  	_ =	swait.ge [sflag:s18], $0x2800  }
0x5b: {  	[sflag:s18] =	ssyncset.done $0x0  }
0x5c: {  	[sflag:s18] =	ssyncadd.s32 $0xFFFFD800  }
0x5d: {  	s19 =	sadd.s32 $0x1, s19  }
0x5e: {  	p0 =	sne.s32 s19, s9  }
.Ltmp2:
0x5f: {  	_ = 	snop;
	(pc) =	sbr.rel @p0 .LBB2_1-.Ltmp2, $1  }
0x60: {  	_ =	sdelay $0x3  }
0x61: {  	_ =	sfence.sel $0x180000  }
0x62: {  	[bflag:$0x0] =	sbarrier.arrive $0xFFFF  }
0x63: {  	p0 =	sne.s32 s2, $0x0;
	_ =	strace $0x90000047  }
0x64: {  	s0 =	sadd.s32 @!p0 $0x100000, s0;
	[bflag:$0x2] =	sbarrier.arrive $0xFFFF  }
0x65: {  	[sflag:s0] =	ssyncadd.tile.s32 @!p0 $0x1;
	_ =	shalt  }
.Lfunc_end2:
_tile_overlayer_lowered:
.L_overlay_start_2:
0x66: {  	(tag) =	ssettag $0x2  }
0x67: {  	s0 =	rddreg [dreg:$0x0];
	s2 =	stileid.u32  }
0x68: {  	s1 =	rddreg [dreg:$0x1];
	p0 =	sne.s32 s2, $0x0  }
0x69: {  	s3 =	rddreg [dreg:$0x2];
	[bflag:$0x3] =	sbarrier.arrive $0xFFFF;
	s2 =	simm.s32 @!p0 $0x1C04  }
0x6a: {  	[timem:s3], [sflag:s2] =	dma.local @!p0 [hbm:s0], s1  }
0x6b: {  	s0 =	simm.s32 @!p0 $0x4  }
0x6c: {  	_ =	swait.ge @!p0 [sflag:s0], s1  }
0x6d: {  	s1 =	ssub.s32 @!p0 $0x0, s1;
	[sflag:s0] =	ssyncset.done @!p0 $0x0  }
0x6e: {  	[sflag:s0] =	ssyncadd.s32 @!p0 s1  }
0x6f: {  	[bflag:$0x3] =	sbarrier.arrive $0xFFFF  }
0x70: {  	_ =	shalt  }

</sc_bundles>
